<compile_context>
chip_gen: v7x
topology: tpu7x:2x2x1
jax: 0.10.2.dev20260603
libtpu: 0.0.44.dev20260713+nightly
codegen_flags: <defaults>
</compile_context>

<pallas_src>
import functools
import jax
import jax.numpy as jnp
from jax import lax
from jax.experimental import pallas as pl
from jax.experimental.pallas import tpu as pltpu, tpu_sc as plsc

_SCALE_BOUND = 0.11
_INV_SQRT2 = 0.7071067811865476

_N = 192 * 256 * 256
_NC, _NS, _L = 2, 16, 16
_NW = _NC * _NS
_PER_W = _N // _NW
_T = 8192
_TILES = _PER_W // _T
_VECS = _T // _L

_P = 0.3275911
_A1 = 0.254829592
_A2 = -0.284496736
_A3 = 1.421413741
_A4 = -1.453152027
_A5 = 1.061405429


def _erf(z):
    az = jnp.abs(z)
    t = 1.0 / (1.0 + _P * az)
    poly = ((((_A5 * t + _A4) * t + _A3) * t + _A2) * t + _A1) * t
    r = 1.0 - poly * jnp.exp(-az * az)
    return jnp.where(z < 0.0, -r, r)


def _sc_body(x_hbm, c_hbm, lik_hbm, xout_hbm, xs, ms, ss, ls):
    wid = lax.axis_index("s") * _NC + lax.axis_index("c")
    base = wid * _PER_W

    def tile_body(tt, _):
        start = base + tt * _T
        pltpu.sync_copy(x_hbm.at[pl.ds(start, _T)], xs)
        pltpu.sync_copy(c_hbm.at[pl.ds(start, _T)], ms)
        pltpu.sync_copy(c_hbm.at[pl.ds(_N + start, _T)], ss)

        def vec_body(i, _):
            off = i * _L
            x = xs[pl.ds(off, _L)]
            m = ms[pl.ds(off, _L)]
            s = jnp.maximum(ss[pl.ds(off, _L)], _SCALE_BOUND)
            v = jnp.abs(x - m)
            c = _INV_SQRT2 / s
            lik = 0.5 * (_erf((0.5 - v) * c) - _erf((-0.5 - v) * c))
            ls[pl.ds(off, _L)] = lik
            return _

        lax.fori_loop(0, _VECS, vec_body, None, unroll=4)
        pltpu.sync_copy(ls, lik_hbm.at[pl.ds(start, _T)])
        pltpu.sync_copy(xs, xout_hbm.at[pl.ds(start, _T)])
        return _

    lax.fori_loop(0, _TILES, tile_body, None)


def kernel(input, condition):
    xf = input.reshape(_N)
    cf = condition.reshape(2 * _N)
    mesh = plsc.VectorSubcoreMesh(
        core_axis_name="c", subcore_axis_name="s",
        num_cores=_NC, num_subcores=_NS,
    )
    lik, xout = pl.kernel(
        _sc_body,
        out_type=[
            jax.ShapeDtypeStruct((_N,), jnp.float32),
            jax.ShapeDtypeStruct((_N,), jnp.float32),
        ],
        mesh=mesh,
        scratch_types=[
            pltpu.VMEM((_T,), jnp.float32),
            pltpu.VMEM((_T,), jnp.float32),
            pltpu.VMEM((_T,), jnp.float32),
            pltpu.VMEM((_T,), jnp.float32),
        ],
    )(xf, cf)
    return (xout.reshape(input.shape), lik.reshape(input.shape))

# --- scband reference (transcript-rebuilt; emitter-appended) ---
"""Pipeline reference for scband-symmetric-conditional-14482629722695 (READ-ONLY COPY).

The authoritative reference and input builder live on the scoring server;
editing this copy changes nothing except your own understanding.
"""

import jax, jax.numpy as jnp
import numpy as np
from jax.scipy.special import ndtr

SCALES_MIN = 0.11
SCALE_BOUND = 0.11


def setup_inputs(seed: int = 0) -> dict:
    key = jax.random.key(seed)
    k1, k2 = jax.random.split(key)
    inp = jax.random.normal(k1, (1, 192, 256, 256), dtype=jnp.float32)
    cond = jax.random.uniform(k2, (1, 384, 256, 256), dtype=jnp.float32)
    return {"input": inp, "condition": cond}


def _standardized_cumulative(x):
    # Gaussian standardized cumulative: 0.5 * erfc(-x / sqrt(2)) == ndtr(x)
    return ndtr(x)


def reference(input, condition):
    # SymmetricConditional (Gaussian) forward with quant_mode='pass', use_mean=True.
    # _set_condition: split condition channels into (mean, scale); lower-bound scale.
    mean, scale = jnp.split(condition, 2, axis=1)
    scale = jnp.maximum(scale, SCALE_BOUND)
    # quantize(input, 'pass', mean) -> identity
    output = input
    # _likelihood: symmetric conditional likelihood of unit-width bin around value
    values = jnp.abs(output - mean)
    upper = _standardized_cumulative((0.5 - values) / scale)
    lower = _standardized_cumulative((-0.5 - values) / scale)
    likelihood = upper - lower
    return (output, likelihood)

if __name__ == "__main__":
    import jax
    _d = setup_inputs()
    print(jax.jit(kernel)(*tuple(_d.values())))

</pallas_src>

<mosaic_0001>
#map = affine_map<(d0, d1) -> (0)>
module attributes {stable_mosaic.version = 14 : i64} {
  func.func @_sc_body(%arg0: i32, %arg1: i32, %arg2: memref<12582912xf32, #tpu.memory_space<hbm>>, %arg3: memref<25165824xf32, #tpu.memory_space<hbm>>, %arg4: memref<12582912xf32, #tpu.memory_space<hbm>>, %arg5: memref<12582912xf32, #tpu.memory_space<hbm>>, %arg6: memref<8192xf32, #tpu.memory_space<vmem>>, %arg7: memref<8192xf32, #tpu.memory_space<vmem>>, %arg8: memref<8192xf32, #tpu.memory_space<vmem>>, %arg9: memref<8192xf32, #tpu.memory_space<vmem>>) attributes {dimension_semantics = [#tpu.dimension_semantics<core_parallel>, #tpu.dimension_semantics<subcore_parallel>], iteration_bounds = array<i64: 2, 16>, scalar_prefetch = 0 : i64, scratch_operands = 4 : i64, tpu.core_type = #tpu.core_type<sc_vector_subcore>, window_params = [{transform_indices = #map}, {transform_indices = #map}, {transform_indices = #map}, {transform_indices = #map}]} {
    %mul3A = arith.constant 2 : i32
    %mul3A_0 = arith.muli %arg1, %mul3A : i32
    %add3A = arith.addi %mul3A_0, %arg0 : i32
    %mul3A_1 = arith.constant 393216 : i32
    %mul3A_2 = arith.muli %add3A, %mul3A_1 : i32
    %scan3A = arith.constant 0 : i32
    %scan3A_3 = arith.constant 48 : i32
    %scan3A_4 = arith.addi %scan3A, %scan3A_3 : i32
    %scan3A_5 = arith.constant 1 : i32
    scf.for %scan3A_7 = %scan3A to %scan3A_4 step %scan3A_5  : i32 {
      %mul3A_8 = arith.constant 8192 : i32
      %mul3A_9 = arith.muli %scan3A_7, %mul3A_8 : i32
      %add3A_10 = arith.addi %mul3A_2, %mul3A_9 : i32
      "tpu.region"() ({
        %run_scoped3A = tpu.sem_alloc : memref<!tpu.dma_semaphore, #tpu.memory_space<semaphore_mem>>
        %dma_start3A = tpu.memref_slice %arg2[%add3A_10] : memref<12582912xf32, #tpu.memory_space<hbm>> -> memref<8192xf32, #tpu.memory_space<hbm>>
        %dma_start3A_18 = tpu.memref_slice %arg2[%add3A_10] : memref<12582912xf32, #tpu.memory_space<hbm>> -> memref<8192xf32, #tpu.memory_space<hbm>>
        tpu.enqueue_dma source(%dma_start3A_18 : memref<8192xf32, #tpu.memory_space<hbm>>) target(%arg6 : memref<8192xf32, #tpu.memory_space<vmem>>) target_semaphore(%run_scoped3A : memref<!tpu.dma_semaphore, #tpu.memory_space<semaphore_mem>>)
        %dma_wait3A = tpu.memref_slice %arg2[%add3A_10] : memref<12582912xf32, #tpu.memory_space<hbm>> -> memref<8192xf32, #tpu.memory_space<hbm>>
        %dma_wait3A_19 = tpu.memref_slice %arg2[%add3A_10] : memref<12582912xf32, #tpu.memory_space<hbm>> -> memref<8192xf32, #tpu.memory_space<hbm>>
        tpu.wait_dma2 semaphore(%run_scoped3A : memref<!tpu.dma_semaphore, #tpu.memory_space<semaphore_mem>>) src(%dma_wait3A_19 : memref<8192xf32, #tpu.memory_space<hbm>>) dst(%arg6 : memref<8192xf32, #tpu.memory_space<vmem>>)
        tpu.yield
      }) : () -> ()
      "tpu.region"() ({
        %run_scoped3A = tpu.sem_alloc : memref<!tpu.dma_semaphore, #tpu.memory_space<semaphore_mem>>
        %dma_start3A = tpu.memref_slice %arg3[%add3A_10] : memref<25165824xf32, #tpu.memory_space<hbm>> -> memref<8192xf32, #tpu.memory_space<hbm>>
        %dma_start3A_18 = tpu.memref_slice %arg3[%add3A_10] : memref<25165824xf32, #tpu.memory_space<hbm>> -> memref<8192xf32, #tpu.memory_space<hbm>>
        tpu.enqueue_dma source(%dma_start3A_18 : memref<8192xf32, #tpu.memory_space<hbm>>) target(%arg7 : memref<8192xf32, #tpu.memory_space<vmem>>) target_semaphore(%run_scoped3A : memref<!tpu.dma_semaphore, #tpu.memory_space<semaphore_mem>>)
        %dma_wait3A = tpu.memref_slice %arg3[%add3A_10] : memref<25165824xf32, #tpu.memory_space<hbm>> -> memref<8192xf32, #tpu.memory_space<hbm>>
        %dma_wait3A_19 = tpu.memref_slice %arg3[%add3A_10] : memref<25165824xf32, #tpu.memory_space<hbm>> -> memref<8192xf32, #tpu.memory_space<hbm>>
        tpu.wait_dma2 semaphore(%run_scoped3A : memref<!tpu.dma_semaphore, #tpu.memory_space<semaphore_mem>>) src(%dma_wait3A_19 : memref<8192xf32, #tpu.memory_space<hbm>>) dst(%arg7 : memref<8192xf32, #tpu.memory_space<vmem>>)
        tpu.yield
      }) : () -> ()
      %add3A_11 = arith.constant 12582912 : i32
      %add3A_12 = arith.addi %add3A_11, %add3A_10 : i32
      "tpu.region"() ({
        %run_scoped3A = tpu.sem_alloc : memref<!tpu.dma_semaphore, #tpu.memory_space<semaphore_mem>>
        %dma_start3A = tpu.memref_slice %arg3[%add3A_12] : memref<25165824xf32, #tpu.memory_space<hbm>> -> memref<8192xf32, #tpu.memory_space<hbm>>
        %dma_start3A_18 = tpu.memref_slice %arg3[%add3A_12] : memref<25165824xf32, #tpu.memory_space<hbm>> -> memref<8192xf32, #tpu.memory_space<hbm>>
        tpu.enqueue_dma source(%dma_start3A_18 : memref<8192xf32, #tpu.memory_space<hbm>>) target(%arg8 : memref<8192xf32, #tpu.memory_space<vmem>>) target_semaphore(%run_scoped3A : memref<!tpu.dma_semaphore, #tpu.memory_space<semaphore_mem>>)
        %dma_wait3A = tpu.memref_slice %arg3[%add3A_12] : memref<25165824xf32, #tpu.memory_space<hbm>> -> memref<8192xf32, #tpu.memory_space<hbm>>
        %dma_wait3A_19 = tpu.memref_slice %arg3[%add3A_12] : memref<25165824xf32, #tpu.memory_space<hbm>> -> memref<8192xf32, #tpu.memory_space<hbm>>
        tpu.wait_dma2 semaphore(%run_scoped3A : memref<!tpu.dma_semaphore, #tpu.memory_space<semaphore_mem>>) src(%dma_wait3A_19 : memref<8192xf32, #tpu.memory_space<hbm>>) dst(%arg8 : memref<8192xf32, #tpu.memory_space<vmem>>)
        tpu.yield
      }) : () -> ()
      %scan3A_13 = arith.constant 0 : i32
      %scan3A_14 = arith.constant 512 : i32
      %scan3A_15 = arith.addi %scan3A_13, %scan3A_14 : i32
      %scan3A_16 = arith.constant 4 : i32
      scf.for %scan3A_18 = %scan3A_13 to %scan3A_15 step %scan3A_16  : i32 {
        %mul3A_19 = arith.constant 16 : i32
        %mul3A_20 = arith.muli %scan3A_18, %mul3A_19 : i32
        %get3A = arith.index_cast %mul3A_20 : i32 to index
        %get3A_21 = tpu.vector_load %arg6[%get3A] {strides = array<i32>} : memref<8192xf32, #tpu.memory_space<vmem>>, vector<16xf32>,
        %get3A_22 = vector.shape_cast %get3A_21 : vector<16xf32> to vector<16xf32>
        %get3A_23 = arith.index_cast %mul3A_20 : i32 to index
        %get3A_24 = tpu.vector_load %arg7[%get3A_23] {strides = array<i32>} : memref<8192xf32, #tpu.memory_space<vmem>>, vector<16xf32>,
        %get3A_25 = vector.shape_cast %get3A_24 : vector<16xf32> to vector<16xf32>
        %get3A_26 = arith.index_cast %mul3A_20 : i32 to index
        %get3A_27 = tpu.vector_load %arg8[%get3A_26] {strides = array<i32>} : memref<8192xf32, #tpu.memory_space<vmem>>, vector<16xf32>,
        %get3A_28 = vector.shape_cast %get3A_27 : vector<16xf32> to vector<16xf32>
        %max3A = arith.constant 1.100000e-01 : f32
        %max3A_29 = vector.broadcast %max3A : f32 to vector<16xf32>
        %max3A_30 = arith.maximumf %get3A_28, %max3A_29 : vector<16xf32>
        %sub3A = arith.subf %get3A_22, %get3A_25 : vector<16xf32>
        %abs3A = math.absf %sub3A : vector<16xf32>
        %div3A = arith.constant 0.707106769 : f32
        %div3A_31 = vector.broadcast %div3A : f32 to vector<16xf32>
        %div3A_32 = arith.divf %div3A_31, %max3A_30 : vector<16xf32>
        %sub3A_33 = arith.constant 5.000000e-01 : f32
        %sub3A_34 = vector.broadcast %sub3A_33 : f32 to vector<16xf32>
        %sub3A_35 = arith.subf %sub3A_34, %abs3A : vector<16xf32>
        %mul3A_36 = arith.mulf %sub3A_35, %div3A_32 : vector<16xf32>
        %abs3A_37 = math.absf %mul3A_36 : vector<16xf32>
        %mul3A_38 = arith.constant 0.327591091 : f32
        %mul3A_39 = vector.broadcast %mul3A_38 : f32 to vector<16xf32>
        %mul3A_40 = arith.mulf %mul3A_39, %abs3A_37 : vector<16xf32>
        %add3A_41 = arith.constant 1.000000e+00 : f32
        %add3A_42 = vector.broadcast %add3A_41 : f32 to vector<16xf32>
        %add3A_43 = arith.addf %add3A_42, %mul3A_40 : vector<16xf32>
        %div3A_44 = arith.constant 1.000000e+00 : f32
        %div3A_45 = vector.broadcast %div3A_44 : f32 to vector<16xf32>
        %div3A_46 = arith.divf %div3A_45, %add3A_43 : vector<16xf32>
        %mul3A_47 = arith.constant 1.06140542 : f32
        %mul3A_48 = vector.broadcast %mul3A_47 : f32 to vector<16xf32>
        %mul3A_49 = arith.mulf %mul3A_48, %div3A_46 : vector<16xf32>
        %add3A_50 = arith.constant -1.45315206 : f32
        %add3A_51 = vector.broadcast %add3A_50 : f32 to vector<16xf32>
        %add3A_52 = arith.addf %mul3A_49, %add3A_51 : vector<16xf32>
        %mul3A_53 = arith.mulf %add3A_52, %div3A_46 : vector<16xf32>
        %add3A_54 = arith.constant 1.42141378 : f32
        %add3A_55 = vector.broadcast %add3A_54 : f32 to vector<16xf32>
        %add3A_56 = arith.addf %mul3A_53, %add3A_55 : vector<16xf32>
        %mul3A_57 = arith.mulf %add3A_56, %div3A_46 : vector<16xf32>
        %add3A_58 = arith.constant -0.284496725 : f32
        %add3A_59 = vector.broadcast %add3A_58 : f32 to vector<16xf32>
        %add3A_60 = arith.addf %mul3A_57, %add3A_59 : vector<16xf32>
        %mul3A_61 = arith.mulf %add3A_60, %div3A_46 : vector<16xf32>
        %add3A_62 = arith.constant 0.254829586 : f32
        %add3A_63 = vector.broadcast %add3A_62 : f32 to vector<16xf32>
        %add3A_64 = arith.addf %mul3A_61, %add3A_63 : vector<16xf32>
        %mul3A_65 = arith.mulf %add3A_64, %div3A_46 : vector<16xf32>
        %neg3A = arith.constant 0.000000e+00 : f32
        %neg3A_66 = vector.broadcast %neg3A : f32 to vector<16xf32>
        %neg3A_67 = arith.subf %neg3A_66, %abs3A_37 : vector<16xf32>
        %mul3A_68 = arith.mulf %neg3A_67, %abs3A_37 : vector<16xf32>
        %exp3A = math.exp %mul3A_68 : vector<16xf32>
        %mul3A_69 = arith.mulf %mul3A_65, %exp3A : vector<16xf32>
        %sub3A_70 = arith.constant 1.000000e+00 : f32
        %sub3A_71 = vector.broadcast %sub3A_70 : f32 to vector<16xf32>
        %sub3A_72 = arith.subf %sub3A_71, %mul3A_69 : vector<16xf32>
        %lt3A = arith.constant 0.000000e+00 : f32
        %lt3A_73 = vector.broadcast %lt3A : f32 to vector<16xf32>
        %lt3A_74 = arith.cmpf olt, %mul3A_36, %lt3A_73 : vector<16xf32>
        %neg3A_75 = arith.constant 0.000000e+00 : f32
        %neg3A_76 = vector.broadcast %neg3A_75 : f32 to vector<16xf32>
        %neg3A_77 = arith.subf %neg3A_76, %sub3A_72 : vector<16xf32>
        %select_n3A = arith.select %lt3A_74, %neg3A_77, %sub3A_72 : vector<16xi1>, vector<16xf32>
        %sub3A_78 = arith.constant -5.000000e-01 : f32
        %sub3A_79 = vector.broadcast %sub3A_78 : f32 to vector<16xf32>
        %sub3A_80 = arith.subf %sub3A_79, %abs3A : vector<16xf32>
        %mul3A_81 = arith.mulf %sub3A_80, %div3A_32 : vector<16xf32>
        %abs3A_82 = math.absf %mul3A_81 : vector<16xf32>
        %mul3A_83 = arith.constant 0.327591091 : f32
        %mul3A_84 = vector.broadcast %mul3A_83 : f32 to vector<16xf32>
        %mul3A_85 = arith.mulf %mul3A_84, %abs3A_82 : vector<16xf32>
        %add3A_86 = arith.constant 1.000000e+00 : f32
        %add3A_87 = vector.broadcast %add3A_86 : f32 to vector<16xf32>
        %add3A_88 = arith.addf %add3A_87, %mul3A_85 : vector<16xf32>
        %div3A_89 = arith.constant 1.000000e+00 : f32
        %div3A_90 = vector.broadcast %div3A_89 : f32 to vector<16xf32>
        %div3A_91 = arith.divf %div3A_90, %add3A_88 : vector<16xf32>
        %mul3A_92 = arith.constant 1.06140542 : f32
        %mul3A_93 = vector.broadcast %mul3A_92 : f32 to vector<16xf32>
        %mul3A_94 = arith.mulf %mul3A_93, %div3A_91 : vector<16xf32>
        %add3A_95 = arith.constant -1.45315206 : f32
        %add3A_96 = vector.broadcast %add3A_95 : f32 to vector<16xf32>
        %add3A_97 = arith.addf %mul3A_94, %add3A_96 : vector<16xf32>
        %mul3A_98 = arith.mulf %add3A_97, %div3A_91 : vector<16xf32>
        %add3A_99 = arith.constant 1.42141378 : f32
        %add3A_100 = vector.broadcast %add3A_99 : f32 to vector<16xf32>
        %add3A_101 = arith.addf %mul3A_98, %add3A_100 : vector<16xf32>
        %mul3A_102 = arith.mulf %add3A_101, %div3A_91 : vector<16xf32>
        %add3A_103 = arith.constant -0.284496725 : f32
        %add3A_104 = vector.broadcast %add3A_103 : f32 to vector<16xf32>
        %add3A_105 = arith.addf %mul3A_102, %add3A_104 : vector<16xf32>
        %mul3A_106 = arith.mulf %add3A_105, %div3A_91 : vector<16xf32>
        %add3A_107 = arith.constant 0.254829586 : f32
        %add3A_108 = vector.broadcast %add3A_107 : f32 to vector<16xf32>
        %add3A_109 = arith.addf %mul3A_106, %add3A_108 : vector<16xf32>
        %mul3A_110 = arith.mulf %add3A_109, %div3A_91 : vector<16xf32>
        %neg3A_111 = arith.constant 0.000000e+00 : f32
        %neg3A_112 = vector.broadcast %neg3A_111 : f32 to vector<16xf32>
        %neg3A_113 = arith.subf %neg3A_112, %abs3A_82 : vector<16xf32>
        %mul3A_114 = arith.mulf %neg3A_113, %abs3A_82 : vector<16xf32>
        %exp3A_115 = math.exp %mul3A_114 : vector<16xf32>
        %mul3A_116 = arith.mulf %mul3A_110, %exp3A_115 : vector<16xf32>
        %sub3A_117 = arith.constant 1.000000e+00 : f32
        %sub3A_118 = vector.broadcast %sub3A_117 : f32 to vector<16xf32>
        %sub3A_119 = arith.subf %sub3A_118, %mul3A_116 : vector<16xf32>
        %lt3A_120 = arith.constant 0.000000e+00 : f32
        %lt3A_121 = vector.broadcast %lt3A_120 : f32 to vector<16xf32>
        %lt3A_122 = arith.cmpf olt, %mul3A_81, %lt3A_121 : vector<16xf32>
        %neg3A_123 = arith.constant 0.000000e+00 : f32
        %neg3A_124 = vector.broadcast %neg3A_123 : f32 to vector<16xf32>
        %neg3A_125 = arith.subf %neg3A_124, %sub3A_119 : vector<16xf32>
        %select_n3A_126 = arith.select %lt3A_122, %neg3A_125, %sub3A_119 : vector<16xi1>, vector<16xf32>
        %sub3A_127 = arith.subf %select_n3A, %select_n3A_126 : vector<16xf32>
        %mul3A_128 = arith.constant 5.000000e-01 : f32
        %mul3A_129 = vector.broadcast %mul3A_128 : f32 to vector<16xf32>
        %mul3A_130 = arith.mulf %mul3A_129, %sub3A_127 : vector<16xf32>
        %swap3A = arith.index_cast %mul3A_20 : i32 to index
        %swap3A_131 = tpu.vector_load %arg9[%swap3A] {strides = array<i32>} : memref<8192xf32, #tpu.memory_space<vmem>>, vector<16xf32>,
        %swap3A_132 = vector.shape_cast %swap3A_131 : vector<16xf32> to vector<16xf32>
        %swap3A_133 = vector.shape_cast %mul3A_130 : vector<16xf32> to vector<16xf32>
        tpu.vector_store %arg9[%swap3A], %swap3A_133 {strides = array<i32>} : memref<8192xf32, #tpu.memory_space<vmem>>, vector<16xf32>,
        %scan3A_134 = arith.constant 1 : i32
        %scan3A_135 = arith.addi %scan3A_18, %scan3A_134 : i32
        %mul3A_136 = arith.constant 16 : i32
        %mul3A_137 = arith.muli %scan3A_135, %mul3A_136 : i32
        %get3A_138 = arith.index_cast %mul3A_137 : i32 to index
        %get3A_139 = tpu.vector_load %arg6[%get3A_138] {strides = array<i32>} : memref<8192xf32, #tpu.memory_space<vmem>>, vector<16xf32>,
        %get3A_140 = vector.shape_cast %get3A_139 : vector<16xf32> to vector<16xf32>
        %get3A_141 = arith.index_cast %mul3A_137 : i32 to index
        %get3A_142 = tpu.vector_load %arg7[%get3A_141] {strides = array<i32>} : memref<8192xf32, #tpu.memory_space<vmem>>, vector<16xf32>,
        %get3A_143 = vector.shape_cast %get3A_142 : vector<16xf32> to vector<16xf32>
        %get3A_144 = arith.index_cast %mul3A_137 : i32 to index
        %get3A_145 = tpu.vector_load %arg8[%get3A_144] {strides = array<i32>} : memref<8192xf32, #tpu.memory_space<vmem>>, vector<16xf32>,
        %get3A_146 = vector.shape_cast %get3A_145 : vector<16xf32> to vector<16xf32>
        %max3A_147 = arith.constant 1.100000e-01 : f32
        %max3A_148 = vector.broadcast %max3A_147 : f32 to vector<16xf32>
        %max3A_149 = arith.maximumf %get3A_146, %max3A_148 : vector<16xf32>
        %sub3A_150 = arith.subf %get3A_140, %get3A_143 : vector<16xf32>
        %abs3A_151 = math.absf %sub3A_150 : vector<16xf32>
        %div3A_152 = arith.constant 0.707106769 : f32
        %div3A_153 = vector.broadcast %div3A_152 : f32 to vector<16xf32>
        %div3A_154 = arith.divf %div3A_153, %max3A_149 : vector<16xf32>
        %sub3A_155 = arith.constant 5.000000e-01 : f32
        %sub3A_156 = vector.broadcast %sub3A_155 : f32 to vector<16xf32>
        %sub3A_157 = arith.subf %sub3A_156, %abs3A_151 : vector<16xf32>
        %mul3A_158 = arith.mulf %sub3A_157, %div3A_154 : vector<16xf32>
        %abs3A_159 = math.absf %mul3A_158 : vector<16xf32>
        %mul3A_160 = arith.constant 0.327591091 : f32
        %mul3A_161 = vector.broadcast %mul3A_160 : f32 to vector<16xf32>
        %mul3A_162 = arith.mulf %mul3A_161, %abs3A_159 : vector<16xf32>
        %add3A_163 = arith.constant 1.000000e+00 : f32
        %add3A_164 = vector.broadcast %add3A_163 : f32 to vector<16xf32>
        %add3A_165 = arith.addf %add3A_164, %mul3A_162 : vector<16xf32>
        %div3A_166 = arith.constant 1.000000e+00 : f32
        %div3A_167 = vector.broadcast %div3A_166 : f32 to vector<16xf32>
        %div3A_168 = arith.divf %div3A_167, %add3A_165 : vector<16xf32>
        %mul3A_169 = arith.constant 1.06140542 : f32
        %mul3A_170 = vector.broadcast %mul3A_169 : f32 to vector<16xf32>
        %mul3A_171 = arith.mulf %mul3A_170, %div3A_168 : vector<16xf32>
        %add3A_172 = arith.constant -1.45315206 : f32
        %add3A_173 = vector.broadcast %add3A_172 : f32 to vector<16xf32>
        %add3A_174 = arith.addf %mul3A_171, %add3A_173 : vector<16xf32>
        %mul3A_175 = arith.mulf %add3A_174, %div3A_168 : vector<16xf32>
        %add3A_176 = arith.constant 1.42141378 : f32
        %add3A_177 = vector.broadcast %add3A_176 : f32 to vector<16xf32>
        %add3A_178 = arith.addf %mul3A_175, %add3A_177 : vector<16xf32>
        %mul3A_179 = arith.mulf %add3A_178, %div3A_168 : vector<16xf32>
        %add3A_180 = arith.constant -0.284496725 : f32
        %add3A_181 = vector.broadcast %add3A_180 : f32 to vector<16xf32>
        %add3A_182 = arith.addf %mul3A_179, %add3A_181 : vector<16xf32>
        %mul3A_183 = arith.mulf %add3A_182, %div3A_168 : vector<16xf32>
        %add3A_184 = arith.constant 0.254829586 : f32
        %add3A_185 = vector.broadcast %add3A_184 : f32 to vector<16xf32>
        %add3A_186 = arith.addf %mul3A_183, %add3A_185 : vector<16xf32>
        %mul3A_187 = arith.mulf %add3A_186, %div3A_168 : vector<16xf32>
        %neg3A_188 = arith.constant 0.000000e+00 : f32
        %neg3A_189 = vector.broadcast %neg3A_188 : f32 to vector<16xf32>
        %neg3A_190 = arith.subf %neg3A_189, %abs3A_159 : vector<16xf32>
        %mul3A_191 = arith.mulf %neg3A_190, %abs3A_159 : vector<16xf32>
        %exp3A_192 = math.exp %mul3A_191 : vector<16xf32>
        %mul3A_193 = arith.mulf %mul3A_187, %exp3A_192 : vector<16xf32>
        %sub3A_194 = arith.constant 1.000000e+00 : f32
        %sub3A_195 = vector.broadcast %sub3A_194 : f32 to vector<16xf32>
        %sub3A_196 = arith.subf %sub3A_195, %mul3A_193 : vector<16xf32>
        %lt3A_197 = arith.constant 0.000000e+00 : f32
        %lt3A_198 = vector.broadcast %lt3A_197 : f32 to vector<16xf32>
        %lt3A_199 = arith.cmpf olt, %mul3A_158, %lt3A_198 : vector<16xf32>
        %neg3A_200 = arith.constant 0.000000e+00 : f32
        %neg3A_201 = vector.broadcast %neg3A_200 : f32 to vector<16xf32>
        %neg3A_202 = arith.subf %neg3A_201, %sub3A_196 : vector<16xf32>
        %select_n3A_203 = arith.select %lt3A_199, %neg3A_202, %sub3A_196 : vector<16xi1>, vector<16xf32>
        %sub3A_204 = arith.constant -5.000000e-01 : f32
        %sub3A_205 = vector.broadcast %sub3A_204 : f32 to vector<16xf32>
        %sub3A_206 = arith.subf %sub3A_205, %abs3A_151 : vector<16xf32>
        %mul3A_207 = arith.mulf %sub3A_206, %div3A_154 : vector<16xf32>
        %abs3A_208 = math.absf %mul3A_207 : vector<16xf32>
        %mul3A_209 = arith.constant 0.327591091 : f32
        %mul3A_210 = vector.broadcast %mul3A_209 : f32 to vector<16xf32>
        %mul3A_211 = arith.mulf %mul3A_210, %abs3A_208 : vector<16xf32>
        %add3A_212 = arith.constant 1.000000e+00 : f32
        %add3A_213 = vector.broadcast %add3A_212 : f32 to vector<16xf32>
        %add3A_214 = arith.addf %add3A_213, %mul3A_211 : vector<16xf32>
        %div3A_215 = arith.constant 1.000000e+00 : f32
        %div3A_216 = vector.broadcast %div3A_215 : f32 to vector<16xf32>
        %div3A_217 = arith.divf %div3A_216, %add3A_214 : vector<16xf32>
        %mul3A_218 = arith.constant 1.06140542 : f32
        %mul3A_219 = vector.broadcast %mul3A_218 : f32 to vector<16xf32>
        %mul3A_220 = arith.mulf %mul3A_219, %div3A_217 : vector<16xf32>
        %add3A_221 = arith.constant -1.45315206 : f32
        %add3A_222 = vector.broadcast %add3A_221 : f32 to vector<16xf32>
        %add3A_223 = arith.addf %mul3A_220, %add3A_222 : vector<16xf32>
        %mul3A_224 = arith.mulf %add3A_223, %div3A_217 : vector<16xf32>
        %add3A_225 = arith.constant 1.42141378 : f32
        %add3A_226 = vector.broadcast %add3A_225 : f32 to vector<16xf32>
        %add3A_227 = arith.addf %mul3A_224, %add3A_226 : vector<16xf32>
        %mul3A_228 = arith.mulf %add3A_227, %div3A_217 : vector<16xf32>
        %add3A_229 = arith.constant -0.284496725 : f32
        %add3A_230 = vector.broadcast %add3A_229 : f32 to vector<16xf32>
        %add3A_231 = arith.addf %mul3A_228, %add3A_230 : vector<16xf32>
        %mul3A_232 = arith.mulf %add3A_231, %div3A_217 : vector<16xf32>
        %add3A_233 = arith.constant 0.254829586 : f32
        %add3A_234 = vector.broadcast %add3A_233 : f32 to vector<16xf32>
        %add3A_235 = arith.addf %mul3A_232, %add3A_234 : vector<16xf32>
        %mul3A_236 = arith.mulf %add3A_235, %div3A_217 : vector<16xf32>
        %neg3A_237 = arith.constant 0.000000e+00 : f32
        %neg3A_238 = vector.broadcast %neg3A_237 : f32 to vector<16xf32>
        %neg3A_239 = arith.subf %neg3A_238, %abs3A_208 : vector<16xf32>
        %mul3A_240 = arith.mulf %neg3A_239, %abs3A_208 : vector<16xf32>
        %exp3A_241 = math.exp %mul3A_240 : vector<16xf32>
        %mul3A_242 = arith.mulf %mul3A_236, %exp3A_241 : vector<16xf32>
        %sub3A_243 = arith.constant 1.000000e+00 : f32
        %sub3A_244 = vector.broadcast %sub3A_243 : f32 to vector<16xf32>
        %sub3A_245 = arith.subf %sub3A_244, %mul3A_242 : vector<16xf32>
        %lt3A_246 = arith.constant 0.000000e+00 : f32
        %lt3A_247 = vector.broadcast %lt3A_246 : f32 to vector<16xf32>
        %lt3A_248 = arith.cmpf olt, %mul3A_207, %lt3A_247 : vector<16xf32>
        %neg3A_249 = arith.constant 0.000000e+00 : f32
        %neg3A_250 = vector.broadcast %neg3A_249 : f32 to vector<16xf32>
        %neg3A_251 = arith.subf %neg3A_250, %sub3A_245 : vector<16xf32>
        %select_n3A_252 = arith.select %lt3A_248, %neg3A_251, %sub3A_245 : vector<16xi1>, vector<16xf32>
        %sub3A_253 = arith.subf %select_n3A_203, %select_n3A_252 : vector<16xf32>
        %mul3A_254 = arith.constant 5.000000e-01 : f32
        %mul3A_255 = vector.broadcast %mul3A_254 : f32 to vector<16xf32>
        %mul3A_256 = arith.mulf %mul3A_255, %sub3A_253 : vector<16xf32>
        %swap3A_257 = arith.index_cast %mul3A_137 : i32 to index
        %swap3A_258 = tpu.vector_load %arg9[%swap3A_257] {strides = array<i32>} : memref<8192xf32, #tpu.memory_space<vmem>>, vector<16xf32>,
        %swap3A_259 = vector.shape_cast %swap3A_258 : vector<16xf32> to vector<16xf32>
        %swap3A_260 = vector.shape_cast %mul3A_256 : vector<16xf32> to vector<16xf32>
        tpu.vector_store %arg9[%swap3A_257], %swap3A_260 {strides = array<i32>} : memref<8192xf32, #tpu.memory_space<vmem>>, vector<16xf32>,
        %scan3A_261 = arith.constant 2 : i32
        %scan3A_262 = arith.addi %scan3A_18, %scan3A_261 : i32
        %mul3A_263 = arith.constant 16 : i32
        %mul3A_264 = arith.muli %scan3A_262, %mul3A_263 : i32
        %get3A_265 = arith.index_cast %mul3A_264 : i32 to index
        %get3A_266 = tpu.vector_load %arg6[%get3A_265] {strides = array<i32>} : memref<8192xf32, #tpu.memory_space<vmem>>, vector<16xf32>,
        %get3A_267 = vector.shape_cast %get3A_266 : vector<16xf32> to vector<16xf32>
        %get3A_268 = arith.index_cast %mul3A_264 : i32 to index
        %get3A_269 = tpu.vector_load %arg7[%get3A_268] {strides = array<i32>} : memref<8192xf32, #tpu.memory_space<vmem>>, vector<16xf32>,
        %get3A_270 = vector.shape_cast %get3A_269 : vector<16xf32> to vector<16xf32>
        %get3A_271 = arith.index_cast %mul3A_264 : i32 to index
        %get3A_272 = tpu.vector_load %arg8[%get3A_271] {strides = array<i32>} : memref<8192xf32, #tpu.memory_space<vmem>>, vector<16xf32>,
        %get3A_273 = vector.shape_cast %get3A_272 : vector<16xf32> to vector<16xf32>
        %max3A_274 = arith.constant 1.100000e-01 : f32
        %max3A_275 = vector.broadcast %max3A_274 : f32 to vector<16xf32>
        %max3A_276 = arith.maximumf %get3A_273, %max3A_275 : vector<16xf32>
        %sub3A_277 = arith.subf %get3A_267, %get3A_270 : vector<16xf32>
        %abs3A_278 = math.absf %sub3A_277 : vector<16xf32>
        %div3A_279 = arith.constant 0.707106769 : f32
        %div3A_280 = vector.broadcast %div3A_279 : f32 to vector<16xf32>
        %div3A_281 = arith.divf %div3A_280, %max3A_276 : vector<16xf32>
        %sub3A_282 = arith.constant 5.000000e-01 : f32
        %sub3A_283 = vector.broadcast %sub3A_282 : f32 to vector<16xf32>
        %sub3A_284 = arith.subf %sub3A_283, %abs3A_278 : vector<16xf32>
        %mul3A_285 = arith.mulf %sub3A_284, %div3A_281 : vector<16xf32>
        %abs3A_286 = math.absf %mul3A_285 : vector<16xf32>
        %mul3A_287 = arith.constant 0.327591091 : f32
        %mul3A_288 = vector.broadcast %mul3A_287 : f32 to vector<16xf32>
        %mul3A_289 = arith.mulf %mul3A_288, %abs3A_286 : vector<16xf32>
        %add3A_290 = arith.constant 1.000000e+00 : f32
        %add3A_291 = vector.broadcast %add3A_290 : f32 to vector<16xf32>
        %add3A_292 = arith.addf %add3A_291, %mul3A_289 : vector<16xf32>
        %div3A_293 = arith.constant 1.000000e+00 : f32
        %div3A_294 = vector.broadcast %div3A_293 : f32 to vector<16xf32>
        %div3A_295 = arith.divf %div3A_294, %add3A_292 : vector<16xf32>
        %mul3A_296 = arith.constant 1.06140542 : f32
        %mul3A_297 = vector.broadcast %mul3A_296 : f32 to vector<16xf32>
        %mul3A_298 = arith.mulf %mul3A_297, %div3A_295 : vector<16xf32>
        %add3A_299 = arith.constant -1.45315206 : f32
        %add3A_300 = vector.broadcast %add3A_299 : f32 to vector<16xf32>
        %add3A_301 = arith.addf %mul3A_298, %add3A_300 : vector<16xf32>
        %mul3A_302 = arith.mulf %add3A_301, %div3A_295 : vector<16xf32>
        %add3A_303 = arith.constant 1.42141378 : f32
        %add3A_304 = vector.broadcast %add3A_303 : f32 to vector<16xf32>
        %add3A_305 = arith.addf %mul3A_302, %add3A_304 : vector<16xf32>
        %mul3A_306 = arith.mulf %add3A_305, %div3A_295 : vector<16xf32>
        %add3A_307 = arith.constant -0.284496725 : f32
        %add3A_308 = vector.broadcast %add3A_307 : f32 to vector<16xf32>
        %add3A_309 = arith.addf %mul3A_306, %add3A_308 : vector<16xf32>
        %mul3A_310 = arith.mulf %add3A_309, %div3A_295 : vector<16xf32>
        %add3A_311 = arith.constant 0.254829586 : f32
        %add3A_312 = vector.broadcast %add3A_311 : f32 to vector<16xf32>
        %add3A_313 = arith.addf %mul3A_310, %add3A_312 : vector<16xf32>
        %mul3A_314 = arith.mulf %add3A_313, %div3A_295 : vector<16xf32>
        %neg3A_315 = arith.constant 0.000000e+00 : f32
        %neg3A_316 = vector.broadcast %neg3A_315 : f32 to vector<16xf32>
        %neg3A_317 = arith.subf %neg3A_316, %abs3A_286 : vector<16xf32>
        %mul3A_318 = arith.mulf %neg3A_317, %abs3A_286 : vector<16xf32>
        %exp3A_319 = math.exp %mul3A_318 : vector<16xf32>
        %mul3A_320 = arith.mulf %mul3A_314, %exp3A_319 : vector<16xf32>
        %sub3A_321 = arith.constant 1.000000e+00 : f32
        %sub3A_322 = vector.broadcast %sub3A_321 : f32 to vector<16xf32>
        %sub3A_323 = arith.subf %sub3A_322, %mul3A_320 : vector<16xf32>
        %lt3A_324 = arith.constant 0.000000e+00 : f32
        %lt3A_325 = vector.broadcast %lt3A_324 : f32 to vector<16xf32>
        %lt3A_326 = arith.cmpf olt, %mul3A_285, %lt3A_325 : vector<16xf32>
        %neg3A_327 = arith.constant 0.000000e+00 : f32
        %neg3A_328 = vector.broadcast %neg3A_327 : f32 to vector<16xf32>
        %neg3A_329 = arith.subf %neg3A_328, %sub3A_323 : vector<16xf32>
        %select_n3A_330 = arith.select %lt3A_326, %neg3A_329, %sub3A_323 : vector<16xi1>, vector<16xf32>
        %sub3A_331 = arith.constant -5.000000e-01 : f32
        %sub3A_332 = vector.broadcast %sub3A_331 : f32 to vector<16xf32>
        %sub3A_333 = arith.subf %sub3A_332, %abs3A_278 : vector<16xf32>
        %mul3A_334 = arith.mulf %sub3A_333, %div3A_281 : vector<16xf32>
        %abs3A_335 = math.absf %mul3A_334 : vector<16xf32>
        %mul3A_336 = arith.constant 0.327591091 : f32
        %mul3A_337 = vector.broadcast %mul3A_336 : f32 to vector<16xf32>
        %mul3A_338 = arith.mulf %mul3A_337, %abs3A_335 : vector<16xf32>
        %add3A_339 = arith.constant 1.000000e+00 : f32
        %add3A_340 = vector.broadcast %add3A_339 : f32 to vector<16xf32>
        %add3A_341 = arith.addf %add3A_340, %mul3A_338 : vector<16xf32>
        %div3A_342 = arith.constant 1.000000e+00 : f32
        %div3A_343 = vector.broadcast %div3A_342 : f32 to vector<16xf32>
        %div3A_344 = arith.divf %div3A_343, %add3A_341 : vector<16xf32>
        %mul3A_345 = arith.constant 1.06140542 : f32
        %mul3A_346 = vector.broadcast %mul3A_345 : f32 to vector<16xf32>
        %mul3A_347 = arith.mulf %mul3A_346, %div3A_344 : vector<16xf32>
        %add3A_348 = arith.constant -1.45315206 : f32
        %add3A_349 = vector.broadcast %add3A_348 : f32 to vector<16xf32>
        %add3A_350 = arith.addf %mul3A_347, %add3A_349 : vector<16xf32>
        %mul3A_351 = arith.mulf %add3A_350, %div3A_344 : vector<16xf32>
        %add3A_352 = arith.constant 1.42141378 : f32
        %add3A_353 = vector.broadcast %add3A_352 : f32 to vector<16xf32>
        %add3A_354 = arith.addf %mul3A_351, %add3A_353 : vector<16xf32>
        %mul3A_355 = arith.mulf %add3A_354, %div3A_344 : vector<16xf32>
        %add3A_356 = arith.constant -0.284496725 : f32
        %add3A_357 = vector.broadcast %add3A_356 : f32 to vector<16xf32>
        %add3A_358 = arith.addf %mul3A_355, %add3A_357 : vector<16xf32>
        %mul3A_359 = arith.mulf %add3A_358, %div3A_344 : vector<16xf32>
        %add3A_360 = arith.constant 0.254829586 : f32
        %add3A_361 = vector.broadcast %add3A_360 : f32 to vector<16xf32>
        %add3A_362 = arith.addf %mul3A_359, %add3A_361 : vector<16xf32>
        %mul3A_363 = arith.mulf %add3A_362, %div3A_344 : vector<16xf32>
        %neg3A_364 = arith.constant 0.000000e+00 : f32
        %neg3A_365 = vector.broadcast %neg3A_364 : f32 to vector<16xf32>
        %neg3A_366 = arith.subf %neg3A_365, %abs3A_335 : vector<16xf32>
        %mul3A_367 = arith.mulf %neg3A_366, %abs3A_335 : vector<16xf32>
        %exp3A_368 = math.exp %mul3A_367 : vector<16xf32>
        %mul3A_369 = arith.mulf %mul3A_363, %exp3A_368 : vector<16xf32>
        %sub3A_370 = arith.constant 1.000000e+00 : f32
        %sub3A_371 = vector.broadcast %sub3A_370 : f32 to vector<16xf32>
        %sub3A_372 = arith.subf %sub3A_371, %mul3A_369 : vector<16xf32>
        %lt3A_373 = arith.constant 0.000000e+00 : f32
        %lt3A_374 = vector.broadcast %lt3A_373 : f32 to vector<16xf32>
        %lt3A_375 = arith.cmpf olt, %mul3A_334, %lt3A_374 : vector<16xf32>
        %neg3A_376 = arith.constant 0.000000e+00 : f32
        %neg3A_377 = vector.broadcast %neg3A_376 : f32 to vector<16xf32>
        %neg3A_378 = arith.subf %neg3A_377, %sub3A_372 : vector<16xf32>
        %select_n3A_379 = arith.select %lt3A_375, %neg3A_378, %sub3A_372 : vector<16xi1>, vector<16xf32>
        %sub3A_380 = arith.subf %select_n3A_330, %select_n3A_379 : vector<16xf32>
        %mul3A_381 = arith.constant 5.000000e-01 : f32
        %mul3A_382 = vector.broadcast %mul3A_381 : f32 to vector<16xf32>
        %mul3A_383 = arith.mulf %mul3A_382, %sub3A_380 : vector<16xf32>
        %swap3A_384 = arith.index_cast %mul3A_264 : i32 to index
        %swap3A_385 = tpu.vector_load %arg9[%swap3A_384] {strides = array<i32>} : memref<8192xf32, #tpu.memory_space<vmem>>, vector<16xf32>,
        %swap3A_386 = vector.shape_cast %swap3A_385 : vector<16xf32> to vector<16xf32>
        %swap3A_387 = vector.shape_cast %mul3A_383 : vector<16xf32> to vector<16xf32>
        tpu.vector_store %arg9[%swap3A_384], %swap3A_387 {strides = array<i32>} : memref<8192xf32, #tpu.memory_space<vmem>>, vector<16xf32>,
        %scan3A_388 = arith.constant 3 : i32
        %scan3A_389 = arith.addi %scan3A_18, %scan3A_388 : i32
        %mul3A_390 = arith.constant 16 : i32
        %mul3A_391 = arith.muli %scan3A_389, %mul3A_390 : i32
        %get3A_392 = arith.index_cast %mul3A_391 : i32 to index
        %get3A_393 = tpu.vector_load %arg6[%get3A_392] {strides = array<i32>} : memref<8192xf32, #tpu.memory_space<vmem>>, vector<16xf32>,
        %get3A_394 = vector.shape_cast %get3A_393 : vector<16xf32> to vector<16xf32>
        %get3A_395 = arith.index_cast %mul3A_391 : i32 to index
        %get3A_396 = tpu.vector_load %arg7[%get3A_395] {strides = array<i32>} : memref<8192xf32, #tpu.memory_space<vmem>>, vector<16xf32>,
        %get3A_397 = vector.shape_cast %get3A_396 : vector<16xf32> to vector<16xf32>
        %get3A_398 = arith.index_cast %mul3A_391 : i32 to index
        %get3A_399 = tpu.vector_load %arg8[%get3A_398] {strides = array<i32>} : memref<8192xf32, #tpu.memory_space<vmem>>, vector<16xf32>,
        %get3A_400 = vector.shape_cast %get3A_399 : vector<16xf32> to vector<16xf32>
        %max3A_401 = arith.constant 1.100000e-01 : f32
        %max3A_402 = vector.broadcast %max3A_401 : f32 to vector<16xf32>
        %max3A_403 = arith.maximumf %get3A_400, %max3A_402 : vector<16xf32>
        %sub3A_404 = arith.subf %get3A_394, %get3A_397 : vector<16xf32>
        %abs3A_405 = math.absf %sub3A_404 : vector<16xf32>
        %div3A_406 = arith.constant 0.707106769 : f32
        %div3A_407 = vector.broadcast %div3A_406 : f32 to vector<16xf32>
        %div3A_408 = arith.divf %div3A_407, %max3A_403 : vector<16xf32>
        %sub3A_409 = arith.constant 5.000000e-01 : f32
        %sub3A_410 = vector.broadcast %sub3A_409 : f32 to vector<16xf32>
        %sub3A_411 = arith.subf %sub3A_410, %abs3A_405 : vector<16xf32>
        %mul3A_412 = arith.mulf %sub3A_411, %div3A_408 : vector<16xf32>
        %abs3A_413 = math.absf %mul3A_412 : vector<16xf32>
        %mul3A_414 = arith.constant 0.327591091 : f32
        %mul3A_415 = vector.broadcast %mul3A_414 : f32 to vector<16xf32>
        %mul3A_416 = arith.mulf %mul3A_415, %abs3A_413 : vector<16xf32>
        %add3A_417 = arith.constant 1.000000e+00 : f32
        %add3A_418 = vector.broadcast %add3A_417 : f32 to vector<16xf32>
        %add3A_419 = arith.addf %add3A_418, %mul3A_416 : vector<16xf32>
        %div3A_420 = arith.constant 1.000000e+00 : f32
        %div3A_421 = vector.broadcast %div3A_420 : f32 to vector<16xf32>
        %div3A_422 = arith.divf %div3A_421, %add3A_419 : vector<16xf32>
        %mul3A_423 = arith.constant 1.06140542 : f32
        %mul3A_424 = vector.broadcast %mul3A_423 : f32 to vector<16xf32>
        %mul3A_425 = arith.mulf %mul3A_424, %div3A_422 : vector<16xf32>
        %add3A_426 = arith.constant -1.45315206 : f32
        %add3A_427 = vector.broadcast %add3A_426 : f32 to vector<16xf32>
        %add3A_428 = arith.addf %mul3A_425, %add3A_427 : vector<16xf32>
        %mul3A_429 = arith.mulf %add3A_428, %div3A_422 : vector<16xf32>
        %add3A_430 = arith.constant 1.42141378 : f32
        %add3A_431 = vector.broadcast %add3A_430 : f32 to vector<16xf32>
        %add3A_432 = arith.addf %mul3A_429, %add3A_431 : vector<16xf32>
        %mul3A_433 = arith.mulf %add3A_432, %div3A_422 : vector<16xf32>
        %add3A_434 = arith.constant -0.284496725 : f32
        %add3A_435 = vector.broadcast %add3A_434 : f32 to vector<16xf32>
        %add3A_436 = arith.addf %mul3A_433, %add3A_435 : vector<16xf32>
        %mul3A_437 = arith.mulf %add3A_436, %div3A_422 : vector<16xf32>
        %add3A_438 = arith.constant 0.254829586 : f32
        %add3A_439 = vector.broadcast %add3A_438 : f32 to vector<16xf32>
        %add3A_440 = arith.addf %mul3A_437, %add3A_439 : vector<16xf32>
        %mul3A_441 = arith.mulf %add3A_440, %div3A_422 : vector<16xf32>
        %neg3A_442 = arith.constant 0.000000e+00 : f32
        %neg3A_443 = vector.broadcast %neg3A_442 : f32 to vector<16xf32>
        %neg3A_444 = arith.subf %neg3A_443, %abs3A_413 : vector<16xf32>
        %mul3A_445 = arith.mulf %neg3A_444, %abs3A_413 : vector<16xf32>
        %exp3A_446 = math.exp %mul3A_445 : vector<16xf32>
        %mul3A_447 = arith.mulf %mul3A_441, %exp3A_446 : vector<16xf32>
        %sub3A_448 = arith.constant 1.000000e+00 : f32
        %sub3A_449 = vector.broadcast %sub3A_448 : f32 to vector<16xf32>
        %sub3A_450 = arith.subf %sub3A_449, %mul3A_447 : vector<16xf32>
        %lt3A_451 = arith.constant 0.000000e+00 : f32
        %lt3A_452 = vector.broadcast %lt3A_451 : f32 to vector<16xf32>
        %lt3A_453 = arith.cmpf olt, %mul3A_412, %lt3A_452 : vector<16xf32>
        %neg3A_454 = arith.constant 0.000000e+00 : f32
        %neg3A_455 = vector.broadcast %neg3A_454 : f32 to vector<16xf32>
        %neg3A_456 = arith.subf %neg3A_455, %sub3A_450 : vector<16xf32>
        %select_n3A_457 = arith.select %lt3A_453, %neg3A_456, %sub3A_450 : vector<16xi1>, vector<16xf32>
        %sub3A_458 = arith.constant -5.000000e-01 : f32
        %sub3A_459 = vector.broadcast %sub3A_458 : f32 to vector<16xf32>
        %sub3A_460 = arith.subf %sub3A_459, %abs3A_405 : vector<16xf32>
        %mul3A_461 = arith.mulf %sub3A_460, %div3A_408 : vector<16xf32>
        %abs3A_462 = math.absf %mul3A_461 : vector<16xf32>
        %mul3A_463 = arith.constant 0.327591091 : f32
        %mul3A_464 = vector.broadcast %mul3A_463 : f32 to vector<16xf32>
        %mul3A_465 = arith.mulf %mul3A_464, %abs3A_462 : vector<16xf32>
        %add3A_466 = arith.constant 1.000000e+00 : f32
        %add3A_467 = vector.broadcast %add3A_466 : f32 to vector<16xf32>
        %add3A_468 = arith.addf %add3A_467, %mul3A_465 : vector<16xf32>
        %div3A_469 = arith.constant 1.000000e+00 : f32
        %div3A_470 = vector.broadcast %div3A_469 : f32 to vector<16xf32>
        %div3A_471 = arith.divf %div3A_470, %add3A_468 : vector<16xf32>
        %mul3A_472 = arith.constant 1.06140542 : f32
        %mul3A_473 = vector.broadcast %mul3A_472 : f32 to vector<16xf32>
        %mul3A_474 = arith.mulf %mul3A_473, %div3A_471 : vector<16xf32>
        %add3A_475 = arith.constant -1.45315206 : f32
        %add3A_476 = vector.broadcast %add3A_475 : f32 to vector<16xf32>
        %add3A_477 = arith.addf %mul3A_474, %add3A_476 : vector<16xf32>
        %mul3A_478 = arith.mulf %add3A_477, %div3A_471 : vector<16xf32>
        %add3A_479 = arith.constant 1.42141378 : f32
        %add3A_480 = vector.broadcast %add3A_479 : f32 to vector<16xf32>
        %add3A_481 = arith.addf %mul3A_478, %add3A_480 : vector<16xf32>
        %mul3A_482 = arith.mulf %add3A_481, %div3A_471 : vector<16xf32>
        %add3A_483 = arith.constant -0.284496725 : f32
        %add3A_484 = vector.broadcast %add3A_483 : f32 to vector<16xf32>
        %add3A_485 = arith.addf %mul3A_482, %add3A_484 : vector<16xf32>
        %mul3A_486 = arith.mulf %add3A_485, %div3A_471 : vector<16xf32>
        %add3A_487 = arith.constant 0.254829586 : f32
        %add3A_488 = vector.broadcast %add3A_487 : f32 to vector<16xf32>
        %add3A_489 = arith.addf %mul3A_486, %add3A_488 : vector<16xf32>
        %mul3A_490 = arith.mulf %add3A_489, %div3A_471 : vector<16xf32>
        %neg3A_491 = arith.constant 0.000000e+00 : f32
        %neg3A_492 = vector.broadcast %neg3A_491 : f32 to vector<16xf32>
        %neg3A_493 = arith.subf %neg3A_492, %abs3A_462 : vector<16xf32>
        %mul3A_494 = arith.mulf %neg3A_493, %abs3A_462 : vector<16xf32>
        %exp3A_495 = math.exp %mul3A_494 : vector<16xf32>
        %mul3A_496 = arith.mulf %mul3A_490, %exp3A_495 : vector<16xf32>
        %sub3A_497 = arith.constant 1.000000e+00 : f32
        %sub3A_498 = vector.broadcast %sub3A_497 : f32 to vector<16xf32>
        %sub3A_499 = arith.subf %sub3A_498, %mul3A_496 : vector<16xf32>
        %lt3A_500 = arith.constant 0.000000e+00 : f32
        %lt3A_501 = vector.broadcast %lt3A_500 : f32 to vector<16xf32>
        %lt3A_502 = arith.cmpf olt, %mul3A_461, %lt3A_501 : vector<16xf32>
        %neg3A_503 = arith.constant 0.000000e+00 : f32
        %neg3A_504 = vector.broadcast %neg3A_503 : f32 to vector<16xf32>
        %neg3A_505 = arith.subf %neg3A_504, %sub3A_499 : vector<16xf32>
        %select_n3A_506 = arith.select %lt3A_502, %neg3A_505, %sub3A_499 : vector<16xi1>, vector<16xf32>
        %sub3A_507 = arith.subf %select_n3A_457, %select_n3A_506 : vector<16xf32>
        %mul3A_508 = arith.constant 5.000000e-01 : f32
        %mul3A_509 = vector.broadcast %mul3A_508 : f32 to vector<16xf32>
        %mul3A_510 = arith.mulf %mul3A_509, %sub3A_507 : vector<16xf32>
        %swap3A_511 = arith.index_cast %mul3A_391 : i32 to index
        %swap3A_512 = tpu.vector_load %arg9[%swap3A_511] {strides = array<i32>} : memref<8192xf32, #tpu.memory_space<vmem>>, vector<16xf32>,
        %swap3A_513 = vector.shape_cast %swap3A_512 : vector<16xf32> to vector<16xf32>
        %swap3A_514 = vector.shape_cast %mul3A_510 : vector<16xf32> to vector<16xf32>
        tpu.vector_store %arg9[%swap3A_511], %swap3A_514 {strides = array<i32>} : memref<8192xf32, #tpu.memory_space<vmem>>, vector<16xf32>,
      }
      %scan3A_17 = arith.constant 512 : i32
      "tpu.region"() ({
        %run_scoped3A = tpu.sem_alloc : memref<!tpu.dma_semaphore, #tpu.memory_space<semaphore_mem>>
        %dma_start3A = tpu.memref_slice %arg4[%add3A_10] : memref<12582912xf32, #tpu.memory_space<hbm>> -> memref<8192xf32, #tpu.memory_space<hbm>>
        %dma_start3A_18 = tpu.memref_slice %arg4[%add3A_10] : memref<12582912xf32, #tpu.memory_space<hbm>> -> memref<8192xf32, #tpu.memory_space<hbm>>
        tpu.enqueue_dma source(%arg9 : memref<8192xf32, #tpu.memory_space<vmem>>) target(%dma_start3A_18 : memref<8192xf32, #tpu.memory_space<hbm>>) target_semaphore(%run_scoped3A : memref<!tpu.dma_semaphore, #tpu.memory_space<semaphore_mem>>)
        %dma_wait3A = tpu.memref_slice %arg4[%add3A_10] : memref<12582912xf32, #tpu.memory_space<hbm>> -> memref<8192xf32, #tpu.memory_space<hbm>>
        %dma_wait3A_19 = tpu.memref_slice %arg4[%add3A_10] : memref<12582912xf32, #tpu.memory_space<hbm>> -> memref<8192xf32, #tpu.memory_space<hbm>>
        tpu.wait_dma2 semaphore(%run_scoped3A : memref<!tpu.dma_semaphore, #tpu.memory_space<semaphore_mem>>) src(%arg9 : memref<8192xf32, #tpu.memory_space<vmem>>) dst(%dma_wait3A_19 : memref<8192xf32, #tpu.memory_space<hbm>>)
        tpu.yield
      }) : () -> ()
      "tpu.region"() ({
        %run_scoped3A = tpu.sem_alloc : memref<!tpu.dma_semaphore, #tpu.memory_space<semaphore_mem>>
        %dma_start3A = tpu.memref_slice %arg5[%add3A_10] : memref<12582912xf32, #tpu.memory_space<hbm>> -> memref<8192xf32, #tpu.memory_space<hbm>>
        %dma_start3A_18 = tpu.memref_slice %arg5[%add3A_10] : memref<12582912xf32, #tpu.memory_space<hbm>> -> memref<8192xf32, #tpu.memory_space<hbm>>
        tpu.enqueue_dma source(%arg6 : memref<8192xf32, #tpu.memory_space<vmem>>) target(%dma_start3A_18 : memref<8192xf32, #tpu.memory_space<hbm>>) target_semaphore(%run_scoped3A : memref<!tpu.dma_semaphore, #tpu.memory_space<semaphore_mem>>)
        %dma_wait3A = tpu.memref_slice %arg5[%add3A_10] : memref<12582912xf32, #tpu.memory_space<hbm>> -> memref<8192xf32, #tpu.memory_space<hbm>>
        %dma_wait3A_19 = tpu.memref_slice %arg5[%add3A_10] : memref<12582912xf32, #tpu.memory_space<hbm>> -> memref<8192xf32, #tpu.memory_space<hbm>>
        tpu.wait_dma2 semaphore(%run_scoped3A : memref<!tpu.dma_semaphore, #tpu.memory_space<semaphore_mem>>) src(%arg6 : memref<8192xf32, #tpu.memory_space<vmem>>) dst(%dma_wait3A_19 : memref<8192xf32, #tpu.memory_space<hbm>>)
        tpu.yield
      }) : () -> ()
    }
    %scan3A_6 = arith.constant 48 : i32
    return
  }
}

</mosaic_0001>

<sc_bundles>
// kernel: kernel.3.cloned.1.call-start
scs
__scs_entry_jumppad:
0x0: {  	(pc) =	sbr.rel $0x88, $3  }
0x1: {  	(tag) =	ssettag $0x0;
	lr =	simm.s32 $0x1  }
0x2: {  	[smem:$0x3F9F] =	sst lr;
	_ =	strace $0xD0000000  }
0x3: {  	_ = 	snop  }
0x4: {  	_ = 	snop  }
0x5: {  	_ = 	snop  }
0x6: {  	_ = 	snop  }
0x7: {  	_ = 	snop  }
__scs_overlays_trampoline_lowered:
0x8: {  	[smem:$0x3FAE] =	sst s0  }
0x9: {  	[smem:$0x3FAF] =	sst s1  }
0xa: {  	[smem:$0x3FB0] =	sst s2  }
0xb: {  	[smem:$0x3FB1] =	sst s3  }
0xc: {  	[smem:$0x3FB2] =	sst s4  }
0xd: {  	[smem:$0x3FB3] =	sst s5  }
0xe: {  	[smem:$0x3FB4] =	sst s6  }
0xf: {  	[smem:$0x3FB5] =	sst s7  }
0x10: {  	[smem:$0x3FB6] =	sst s8  }
0x11: {  	[smem:$0x3FB7] =	sst s9;
	s0 =	simm.s32 @!p0 $0x0  }
0x12: {  	s1 =	sld [smem:$0x3F9D];
	s0 =	simm.s32 @p0 $0x1  }
0x13: {  	[smem:$0x3FB8] =	sst s0;
	s0 =	simm.s32 @!p1 $0x0  }
0x14: {  	s2 =	sld [smem:$0x3F9C];
	s0 =	simm.s32 @p1 $0x1  }
0x15: {  	[smem:$0x3FB9] =	sst s0;
	s0 =	simm.s32 @!p2 $0x0  }
0x16: {  	s3 =	sld [smem:$0x3FDB];
	s0 =	simm.s32 @p2 $0x1  }
0x17: {  	s4 =	simm.s32 $0x1BF5;
	[smem:$0x3FBB] =	sst s0  }
0x18: {  	s0 =	sld [smem:$0x3F9E];
	_ =	swait.ge [sflag:s4], $0x0  }
0x19: {  	s7 =	sld [smem:$0x3F9F]  }
0x1a: {  	s8 =	sadd.s32 $0xFFFFE003, lr  }
0x1b: {  	s9 =	sadd.s32 $0xFFFFFEF7, lr;
	s5 =	simm.s32 $0xFFFFFFFF;
	p2 =	slt.u32 s8, $0xFFFFF086  }
0x1c: {  	p1 =	slt.u32 s9, $0xF7A;
	s5 =	simm.s32 @!p2 $0x0  }
0x1d: {  	s5 =	simm.s32 @p1 $0x1;
	p0 =	seq.s32 s7, s2  }
0x1e: {  	s7 =	smul.u32 @!p0 $0xF7A, s2;
	p2 =	seq.s32 @!p0 s5, $0x0  }
0x1f: {  	s9 =	smul.u32 $0xF7A, s1;
	s8 =	simm.s32 @!p0 $0x1BF5;
	p2 =	por !p2, p0  }
0x20: {  	[sflag:s8] =	ssyncset.s32 @!p0 $0xFFFFF086;
	s6 =	sadd.s32 @!p0 s3, s7;
	s7 =	simm.s32 @!p0 $0x108  }
0x21: {  	s3 =	sadd.s32 s3, s9;
	s6 =	sadd.s32 @!p0 $0x88, s6;
	s7 =	simm.s32 @p2 $0x1082  }
0x22: {  	[simem:s7], [sflag:s8] =	dma.local @!p0 [hbm:s6], $0xF7A  }
0x23: {  	s9 =	sor.u32 $0xD0000000, s2;
	s6 =	simm.s32 $0x108;
	_ =	swait.ge @!p0 [sflag:s8], $0x0  }
0x24: {  	s3 =	sadd.s32 $0x88, s3;
	s6 =	simm.s32 @!p1 $0x1082;
	[sflag:s4] =	ssyncset.s32 $0xFFFFF086  }
0x25: {  	[simem:s6], [sflag:s4] =	dma.local [hbm:s3], $0xF7A  }
0x26: {  	[smem:$0x3F9F] =	sst s1;
	(tag) =	ssettag s2;
	_ =	strace s9  }
0x27: {  	s1 =	sld [smem:$0x3FAF]  }
0x28: {  	s2 =	sld [smem:$0x3FB0]  }
0x29: {  	s4 =	sld [smem:$0x3FB2]  }
0x2a: {  	p0 =	seq.s32 s5, $0x0;
	s5 =	sld [smem:$0x3FB3]  }
0x2b: {  	s6 =	sld [smem:$0x3FB4]  }
0x2c: {  	s7 =	sld [smem:$0x3FB5]  }
0x2d: {  	s3 =	simm.s32 $0x108;
	s8 =	sld [smem:$0x3FB6]  }
0x2e: {  	s3 =	simm.s32 @!p0 $0x1082;
	s9 =	sld [smem:$0x3FB7]  }
0x2f: {  	lr =	sadd.s32 s0, s3;
	s0 =	sld [smem:$0x3FAE]  }
0x30: {  	s3 =	sld [smem:$0x3FB1]  }
0x31: {  	[smem:$0x3FBA] =	sst s10  }
0x32: {  	s10 =	sld [smem:$0x3FB8];
	_ =	sdelay $0x3  }
0x33: {  	p0 =	seq.s32 s10, $0x1;
	s10 =	sld [smem:$0x3FBA];
	_ =	sdelay $0x3  }
0x34: {  	[smem:$0x3FBA] =	sst s10  }
0x35: {  	s10 =	sld [smem:$0x3FB9];
	_ =	sdelay $0x3  }
0x36: {  	p1 =	seq.s32 s10, $0x1;
	s10 =	sld [smem:$0x3FBA];
	_ =	sdelay $0x3  }
0x37: {  	[smem:$0x3FBA] =	sst s10  }
0x38: {  	s10 =	sld [smem:$0x3FBB]  }
0x39: {  	_ = 	snop;
	(pc) =	sbr.ind lr, $3  }
0x3a: {  	_ = 	snop  }
0x3b: {  	_ = 	snop  }
0x3c: {  	p2 =	seq.s32 s10, $0x1;
	s10 =	sld [smem:$0x3FBA]  }
0x3d: {  	_ =	shalt  }
0x3e: {  	_ =	shalt  }
0x3f: {  	_ =	shalt  }
0x40: {  	_ =	shalt  }
0x41: {  	_ =	shalt  }
0x42: {  	_ =	shalt  }
0x43: {  	_ =	shalt  }
0x44: {  	_ =	shalt  }
0x45: {  	_ =	shalt  }
0x46: {  	_ =	shalt  }
0x47: {  	_ =	shalt  }
0x48: {  	_ =	shalt  }
0x49: {  	_ =	shalt  }
0x4a: {  	_ =	shalt  }
0x4b: {  	_ =	shalt  }
0x4c: {  	_ =	shalt  }
0x4d: {  	_ =	shalt  }
0x4e: {  	_ =	shalt  }
0x4f: {  	_ =	shalt  }
0x50: {  	_ =	shalt  }
0x51: {  	_ =	shalt  }
0x52: {  	_ =	shalt  }
0x53: {  	_ =	shalt  }
0x54: {  	_ =	shalt  }
0x55: {  	_ =	shalt  }
0x56: {  	_ =	shalt  }
0x57: {  	_ =	shalt  }
0x58: {  	_ =	shalt  }
0x59: {  	_ =	shalt  }
0x5a: {  	_ =	shalt  }
0x5b: {  	_ =	shalt  }
0x5c: {  	_ =	shalt  }
0x5d: {  	_ =	shalt  }
0x5e: {  	_ =	shalt  }
0x5f: {  	_ =	shalt  }
0x60: {  	_ =	shalt  }
0x61: {  	_ =	shalt  }
0x62: {  	_ =	shalt  }
0x63: {  	_ =	shalt  }
0x64: {  	_ =	shalt  }
0x65: {  	_ =	shalt  }
0x66: {  	_ =	shalt  }
0x67: {  	_ =	shalt  }
0x68: {  	_ =	shalt  }
0x69: {  	_ =	shalt  }
0x6a: {  	_ =	shalt  }
0x6b: {  	_ =	shalt  }
0x6c: {  	_ =	shalt  }
0x6d: {  	_ =	shalt  }
0x6e: {  	_ =	shalt  }
0x6f: {  	_ =	shalt  }
0x70: {  	_ =	shalt  }
0x71: {  	_ =	shalt  }
0x72: {  	_ =	shalt  }
0x73: {  	_ =	shalt  }
0x74: {  	_ =	shalt  }
0x75: {  	_ =	shalt  }
0x76: {  	_ =	shalt  }
0x77: {  	_ =	shalt  }
0x78: {  	_ =	shalt  }
0x79: {  	_ =	shalt  }
0x7a: {  	_ =	shalt  }
0x7b: {  	_ =	shalt  }
0x7c: {  	_ =	shalt  }
0x7d: {  	_ =	shalt  }
0x7e: {  	_ =	shalt  }
0x7f: {  	_ =	shalt  }
0x80: {  	_ =	shalt  }
0x81: {  	_ =	shalt  }
0x82: {  	_ =	shalt  }
0x83: {  	_ =	shalt  }
0x84: {  	_ =	shalt  }
0x85: {  	_ =	shalt  }
0x86: {  	_ =	shalt  }
0x87: {  	_ =	shalt  }
.Lfunc_end0:
.L_simem_size_0:
called_computation.2_lowered:
.L_overlay_start_0:
0x88: {  	s2 =	sld [smem:$0x3FD9]  }
0x89: {  	s3 =	sld [smem:$0x3FFE];
	_ =	sdelay $0x1  }
0x8a: {  	s1 =	srdreg.scid  }
0x8b: {  	s0 =	sand.u32 $0x1, s1  }
0x8c: {  	s14 =	sshll.u32 s0, $0xA;
	s2 =	sadd.s32 s3, s2  }
0x8d: {  	s2 =	sadd.s32 s2, s14  }
0x8e: {  	[smem:$0x3FC6] =	sst s2  }
0x8f: {  	_ = 	snop  }
0x90: {  	s2 =	sld [smem:$0x3FD0];
	_ =	sdelay $0x2  }
0x91: {  	s15 =	simm.s32 $0xB;
	s4 =	simm.s32 $0x10  }
0x92: {  	[smem:s4], [sflag:s15] =	dma.local [hbm:s2], $0x1  }
0x93: {  	_ =	swait.eq [sflag:s15], $0x1  }
0x94: {  	[sflag:s15] =	ssyncset.done $0x0  }
0x95: {  	s16 =	sld [smem:$0x10];
	[sflag:s15] =	ssyncadd.s32 $0xFFFFFFFF  }
0x96: {  	s17 =	sld [smem:$0x11];
	(tm) =	ssettm $0x1  }
0x97: {  	s18 =	sld [smem:$0x3FFB];
	_ =	sdelay $0x3  }
0x98: {  	_ =	strace s18  }
0x99: {  	s4 =	sld [smem:$0x3FFC];
	_ =	sdelay $0x3  }
0x9a: {  	_ =	strace s4  }
0x9b: {  	s4 =	sld [smem:$0x3FFD];
	_ =	sdelay $0x3  }
0x9c: {  	_ =	strace s4  }
0x9d: {  	_ =	strace $0x8FFFFFFF  }
0x9e: {  	s19 =	sld [smem:$0x3FDB];
	_ =	sdelay $0x1  }
0x9f: {  	s5 =	simm.s32 $_scs_section_size  }
0xa0: {  	s6 =	simm.s32 $_size__tile_overlayer_lowered;
	s7 =	simm.s32 $_tile_overlayer_lowered  }
0xa1: {  	s22 =	simm.s32 $0x1BFF;
	s21 =	sshll.u32 s7, $0x1;
	s4 =	sadd.s32 s5, s19  }
0xa2: {  	s8 =	simm.s32 $0x0;
	s20 =	sshll.u32 s6, $0x1;
	s6 =	sadd.s32 s21, s4  }
0xa3: {  	[timem:s8], [sflag:s22] =	dma.local [hbm:s6], s20  }
0xa4: {  	_ =	swait.ge [sflag:s22], s20  }
0xa5: {  	s5 =	ssub.s32 $0x0, s20;
	[sflag:s22] =	ssyncset.done $0x0  }
0xa6: {  	[sflag:s22] =	ssyncadd.s32 s5;
	_ =	sdelay $0x1  }
0xa7: {  	s23 =	simm.s32 $0x1B8B  }
0xa8: {  	_ =	swait.ge [sflag:s23], $0x1  }
0xa9: {  	[sflag:s23] =	ssyncset.done $0x0  }
0xaa: {  	s25 =	simm.s32 $0x1B8E;
	s24 =	sld [smem:$0x3FFE];
	[sflag:s23] =	ssyncadd.s32 $0xFFFFFFFF  }
0xab: {  	s26 =	simm.s32 $execute0_lowered;
	[smem:$0x3FD2] =	sst s25  }
0xac: {  	s6 =	sshll.u32 s26, $0x1;
	_ =	strace $0x8000004C;
	[dreg:$0x1] =	wrdreg $0xFFFFFFFF  }
0xad: {  	s28 =	simm.s32 $_size_execute0_lowered;
	s4 =	sadd.s32 s4, s6;
	[dreg:$0x0] =	wrdreg $0x0  }
0xae: {  	s6 =	sshll.u32 s28, $0x1;
	[dreg:$0x2] =	wrdreg s4  }
0xaf: {  	[dreg:$0x3] =	wrdreg s6  }
0xb0: {  	[dreg:$0x4] =	wrdreg $0xC0  }
0xb1: {  	_ =	task [dreg:s8], $0x5FFFF  }
0xb2: {  	[dreg:$0x1] =	wrdreg $0xFFFFFFFF  }
0xb3: {  	[dreg:$0x0] =	wrdreg $0x60  }
0xb4: {  	[dreg:$0x2] =	wrdreg s16  }
0xb5: {  	[dreg:$0x3] =	wrdreg s24  }
0xb6: {  	[dreg:$0x4] =	wrdreg s17  }
0xb7: {  	[dreg:$0x5] =	wrdreg $0x9  }
0xb8: {  	_ =	task.clear_ibuf [dreg:s8], $0x6FFFF;
	_ =	strace $0x9000004C  }
0xb9: {  	s29 =	simm.s32 $0x9;
	_ =	strace $0x8000004E  }
0xba: {  	_ =	swait.ge [sflag:s29], $0x1  }
0xbb: {  	[sflag:s29] =	ssyncadd.s32 $0xFFFFFFFF  }
0xbc: {  	_ =	strace $0x9000004E  }
0xbd: {  	_ =	sfence  }
0xbe: {  	s30 =	sld [smem:$0x0];
	_ =	sdelay $0x2  }
0xbf: {  	s31 =	sshll.u32 s1, $0xD;
	s1 =	sshrl.u32 s1, $0x2  }
0xc0: {  	s3 =	sand.u32 $0x4000, s31;
	s1 =	sadd.s32 s1, s30  }
0xc1: {  	s0 =	sor.u32 s3, s0;
	s1 =	sshll.u32 s1, $0x11  }
0xc2: {  	s0 =	sor.u32 s1, s0  }
0xc3: {  	s0 =	sadd.s32 $0x8F2B, s0  }
0xc4: {  	[sflag:s0] =	ssyncadd.remote.s32 $0x1  }
0xc5: {  	_ =	sfence.sel $0xFFFF  }
0xc6: {  	[dreg:$0x0] =	wrdreg $0xFFFFFFFF;
	(pc) =	sbr.abs _section_cstart, $3  }
0xc7: {  	[dreg:$0x1] =	wrdreg $0xFFFFFFFF  }
0xc8: {  	_ =	task.clear_ibuf [dreg:s8], $0x2FFFF;
	_ =	strace $0x9FFFFFFF  }
0xc9: {  	(tm) =	ssettm $0x7FFFFFFF  }
tec
execute0_lowered:
.L_overlay_start_1:
0x0: {  	(tag) =	ssettag $0x1  }
0x1: {  	s1 =	rddreg [dreg:$0x0]  }
0x2: {  	s6 =	rddreg [dreg:$0x1]  }
0x3: {  	s2 =	rddreg [dreg:$0x2]  }
0x4: {  	s0 =	rddreg [dreg:$0x3];
	s4 =	simm.s32 $0x0;
	s5 =	srdreg.scid  }
0x5: {  	s3 =	stileid.u32;
	s11 =	simm.s32 $0x4000;
	s12 =	simm.s32 $0x6000  }
0x6: {  	s13 =	simm.s32 $0x0;
	[smem:$0x7FF] =	sst s4;
	s7 =	sand.u32 $0x1, s5  }
0x7: {  	s9 =	sshll.u32 s3, $0x1;
	s5 =	sadd.s32 $0x1000, s6;
	s8 =	ssub.s32 $0x2, s7  }
0x8: {  	s6 =	sadd.s32 $0x301000, s6;
	_ =	strace $0x8000004D;
	s10 =	sshrl.u32 s8, $0x1  }
0x9: {  	s7 =	sor.u32 s7, s9;
	s9 =	simm.s32 $0x1;
	s8 =	ssub.s32 s8, s10  }
0xa: {  	s7 =	smul.u32 $0x60000, s7;
	s10 =	simm.s32 $0x2000;
	s8 =	smax.u32 s8, $0x1  }
.LBB2_1:
0xb: {  	s14 =	simm.s32 $0x0  }
.LBB2_2:
0xc: {  	s15 =	sshll.u32 s14, $0xD  }
0xd: {  	s15 =	sadd.s32 s7, s15  }
0xe: {  	s15 =	sshrl.u32 s15, $0x3  }
0xf: {  	s16 =	sadd.s32 s1, s15  }
0x10: {  	[tilespmem:s4], [sflag:$0x1] =	stream.linear.gather [hbm4b:s16+s4], $0x2000, $0x38;
	[tilespmem:$0x8000] =	vst v63  }
0x11: {  	_ =	swait.ge [sflag:s9], $0x2000  }
0x12: {  	[sflag:s9] =	ssyncset.done $0x0  }
0x13: {  	s31 =	sadd.s32 s5, s15;
	[sflag:s9] =	ssyncadd.s32 $0xFFFFE000  }
0x14: {  	[tilespmem:s10], [sflag:$0x1] =	stream.linear.gather [hbm4b:s31+s4], $0x2000, $0x38;
	[tilespmem:$0x8000] =	vst v63  }
0x15: {  	_ =	swait.ge [sflag:s9], $0x2000  }
0x16: {  	[sflag:s9] =	ssyncset.done $0x0  }
0x17: {  	s16 =	sadd.s32 $0x180000, s31;
	[sflag:s9] =	ssyncadd.s32 $0xFFFFE000  }
0x18: {  	[tilespmem:s11], [sflag:$0x1] =	stream.linear.gather [hbm4b:s16+s4], $0x2000, $0x38;
	[tilespmem:$0x8000] =	vst v63  }
0x19: {  	_ =	swait.ge [sflag:s9], $0x2000  }
0x1a: {  	[sflag:s9] =	ssyncset.done $0x0  }
0x1b: {  	s16 =	simm.s32 $0x4020;
	[sflag:s9] =	ssyncadd.s32 $0xFFFFE000  }
0x1c: {  	v0 =	vld [tilespmem:s16+$0xFFFFFFE0];
	_ =	sdelay $0x4  }
0x1d: {  	v0 =	vmax.f32 v0, $1.099999990e-01  }
0x1e: {  	s19 =	simm.s32 $0x2020;
	(erf) = vrcp.f32 v0  }
0x1f: {  	s18 =	simm.s32 $0x20;
	v1 =	vld [tilespmem:s19+$0xFFFFFFE0]  }
0x20: {  	v0 =	vld [tilespmem:s18+$0xFFFFFFE0];
	_ =	sdelay $0x4  }
0x21: {  	v0 =	vsub.f32 v0, v1;
	_ =	sdelay $0x1  }
0x22: {  	v0 =	vand.u32 $0x7FFFFFFF, v0;
	v1 =	vpop (erf)  }
0x23: {  	v2 =	vsub.f32 $5.000000000e-01, v0;
	v1 =	vmul.f32 $7.071067690e-01, v1  }
0x24: {  	v0 =	vsub.f32 $-5.000000000e-01, v0  }
0x25: {  	v2 =	vmul.f32 v1, v2  }
0x26: {  	v0 =	vmul.f32 v1, v0  }
0x27: {  	v1 =	vand.u32 $0x7FFFFFFF, v2  }
0x28: {  	v3 =	vand.u32 $0x7FFFFFFF, v0;
	v4 =	vmul.f32 $3.275910910e-01, v1  }
0x29: {  	v5 =	vmul.f32 $3.275910910e-01, v3  }
0x2a: {  	v4 =	vadd.f32 $1.000000000e+00, v4  }
0x2b: {  	v5 =	vadd.f32 $1.000000000e+00, v5  }
0x2c: {  	(erf) = vrcp.f32 v4  }
0x2d: {  	(erf) = vrcp.f32 v5;
	_ =	sdelay $0x7  }
0x2e: {  	v4 =	vpop (erf)  }
0x2f: {  	v8 =	vsub.f32 $0.0e+00, v1;
	v6 =	vpop (erf)  }
0x30: {  	v18 =	vmul.f32 $1.061405420e+00, v4;
	v7 =	vmul.f32 $1.061405420e+00, v6  }
0x31: {  	v9 =	vsub.f32 $0.0e+00, v3;
	v1 =	vmul.f32 v8, v1  }
0x32: {  	v5 =	vadd.f32 $-1.453152060e+00, v18;
	v7 =	vadd.f32 $-1.453152060e+00, v7  }
0x33: {  	v3 =	vmul.f32 v9, v3;
	v1 =	vmul.f32 $1.442695020e+00, v1  }
0x34: {  	v5 =	vmul.f32 v5, v4;
	v7 =	vmul.f32 v7, v6  }
0x35: {  	v3 =	vmul.f32 $1.442695020e+00, v3  }
0x36: {  	(erf) = vpow2.f32 v1;
	v5 =	vadd.f32 $1.421413780e+00, v5;
	v7 =	vadd.f32 $1.421413780e+00, v7  }
0x37: {  	(erf) = vpow2.f32 v3  }
0x38: {  	v1 =	vmul.f32 v5, v4;
	v3 =	vmul.f32 v7, v6;
	_ =	sdelay $0x1  }
0x39: {  	v1 =	vadd.f32 $-2.844967250e-01, v1;
	v3 =	vadd.f32 $-2.844967250e-01, v3;
	_ =	sdelay $0x1  }
0x3a: {  	v1 =	vmul.f32 v1, v4;
	v3 =	vmul.f32 v3, v6;
	_ =	sdelay $0x1  }
0x3b: {  	v1 =	vadd.f32 $2.548295860e-01, v1;
	v3 =	vadd.f32 $2.548295860e-01, v3;
	_ =	sdelay $0x1  }
0x3c: {  	v19 =	vpop (erf);
	v1 =	vmul.f32 v1, v4;
	v3 =	vmul.f32 v3, v6  }
0x3d: {  	v20 =	vpop (erf)  }
0x3e: {  	v1 =	vmul.f32 v1, v19;
	v3 =	vmul.f32 v3, v20;
	_ =	sdelay $0x1  }
0x3f: {  	v1 =	vsub.f32 $1.000000000e+00, v1;
	v3 =	vsub.f32 $1.000000000e+00, v3;
	_ =	sdelay $0x1  }
0x40: {  	v21 =	vsub.f32 $0.0e+00, v1;
	v22 =	vsub.f32 $0.0e+00, v3  }
0x41: {  	vm0 =	vlt.f32 v2, $0.0e+00;
	vm1 =	vlt.f32 v0, $0.0e+00  }
0x42: {  	v0 =	vsel vm0, v21, v1;
	v1 =	vsel vm1, v22, v3  }
0x43: {  	v0 =	vsub.f32 v0, v1;
	_ =	sdelay $0x1  }
0x44: {  	v0 =	vmul.f32 $5.000000000e-01, v0  }
0x45: {  	s17 =	simm.s32 $0x6020  }
0x46: {  	[tilespmem:s17+$0xFFFFFFE0] =	vst v0  }
0x47: {  	v0 =	vld [tilespmem:s16+$0xFFFFFFF0];
	_ =	sdelay $0x4  }
0x48: {  	v0 =	vmax.f32 v0, $1.099999990e-01  }
0x49: {  	(erf) = vrcp.f32 v0  }
0x4a: {  	v1 =	vld [tilespmem:s18+$0xFFFFFFF0]  }
0x4b: {  	v0 =	vld [tilespmem:s19+$0xFFFFFFF0];
	_ =	sdelay $0x4  }
0x4c: {  	v0 =	vsub.f32 v1, v0;
	_ =	sdelay $0x1  }
0x4d: {  	v0 =	vand.u32 $0x7FFFFFFF, v0;
	v1 =	vpop (erf)  }
0x4e: {  	v2 =	vsub.f32 $5.000000000e-01, v0;
	v1 =	vmul.f32 $7.071067690e-01, v1  }
0x4f: {  	v0 =	vsub.f32 $-5.000000000e-01, v0  }
0x50: {  	v2 =	vmul.f32 v1, v2  }
0x51: {  	v0 =	vmul.f32 v1, v0  }
0x52: {  	v1 =	vand.u32 $0x7FFFFFFF, v2  }
0x53: {  	v3 =	vand.u32 $0x7FFFFFFF, v0;
	v23 =	vmul.f32 $3.275910910e-01, v1  }
0x54: {  	v24 =	vmul.f32 $3.275910910e-01, v3  }
0x55: {  	v4 =	vadd.f32 $1.000000000e+00, v23  }
0x56: {  	v5 =	vadd.f32 $1.000000000e+00, v24  }
0x57: {  	(erf) = vrcp.f32 v4  }
0x58: {  	(erf) = vrcp.f32 v5;
	_ =	sdelay $0x7  }
0x59: {  	v4 =	vpop (erf)  }
0x5a: {  	v25 =	vsub.f32 $0.0e+00, v1;
	v26 =	vpop (erf)  }
0x5b: {  	v27 =	vmul.f32 $1.061405420e+00, v4;
	v28 =	vmul.f32 $1.061405420e+00, v26  }
0x5c: {  	v29 =	vsub.f32 $0.0e+00, v3;
	v1 =	vmul.f32 v25, v1  }
0x5d: {  	v7 =	vadd.f32 $-1.453152060e+00, v27;
	v8 =	vadd.f32 $-1.453152060e+00, v28  }
0x5e: {  	v3 =	vmul.f32 v29, v3;
	v1 =	vmul.f32 $1.442695020e+00, v1  }
0x5f: {  	v30 =	vmul.f32 v7, v4;
	v31 =	vmul.f32 v8, v26  }
0x60: {  	v3 =	vmul.f32 $1.442695020e+00, v3  }
0x61: {  	(erf) = vpow2.f32 v1;
	v5 =	vadd.f32 $1.421413780e+00, v30;
	v1 =	vadd.f32 $1.421413780e+00, v31  }
0x62: {  	(erf) = vpow2.f32 v3  }
0x63: {  	v3 =	vmul.f32 v5, v4;
	v1 =	vmul.f32 v1, v26;
	_ =	sdelay $0x1  }
0x64: {  	v3 =	vadd.f32 $-2.844967250e-01, v3;
	v1 =	vadd.f32 $-2.844967250e-01, v1;
	_ =	sdelay $0x1  }
0x65: {  	v3 =	vmul.f32 v3, v4;
	v1 =	vmul.f32 v1, v26;
	_ =	sdelay $0x1  }
0x66: {  	v3 =	vadd.f32 $2.548295860e-01, v3;
	v1 =	vadd.f32 $2.548295860e-01, v1;
	_ =	sdelay $0x1  }
0x67: {  	v32 =	vpop (erf);
	v3 =	vmul.f32 v3, v4;
	v1 =	vmul.f32 v1, v26  }
0x68: {  	v33 =	vpop (erf)  }
0x69: {  	v3 =	vmul.f32 v3, v32;
	v1 =	vmul.f32 v1, v33;
	_ =	sdelay $0x1  }
0x6a: {  	v3 =	vsub.f32 $1.000000000e+00, v3;
	v1 =	vsub.f32 $1.000000000e+00, v1;
	_ =	sdelay $0x1  }
0x6b: {  	v34 =	vsub.f32 $0.0e+00, v3;
	v35 =	vsub.f32 $0.0e+00, v1  }
0x6c: {  	vm10 =	vlt.f32 v2, $0.0e+00;
	vm11 =	vlt.f32 v0, $0.0e+00  }
0x6d: {  	v0 =	vsel vm10, v34, v3;
	v1 =	vsel vm11, v35, v1  }
0x6e: {  	v0 =	vsub.f32 v0, v1;
	_ =	sdelay $0x1  }
0x6f: {  	v0 =	vmul.f32 $5.000000000e-01, v0;
	_ =	sdelay $0x1  }
0x70: {  	[tilespmem:s17+$0xFFFFFFF0] =	vst v0  }
0x71: {  	v0 =	vld [tilespmem:s16+$0x0];
	_ =	sdelay $0x4  }
0x72: {  	v0 =	vmax.f32 v0, $1.099999990e-01  }
0x73: {  	(erf) = vrcp.f32 v0  }
0x74: {  	v1 =	vld [tilespmem:s18+$0x0]  }
0x75: {  	v0 =	vld [tilespmem:s19+$0x0];
	_ =	sdelay $0x4  }
0x76: {  	v0 =	vsub.f32 v1, v0;
	_ =	sdelay $0x1  }
0x77: {  	v0 =	vand.u32 $0x7FFFFFFF, v0;
	v1 =	vpop (erf)  }
0x78: {  	v2 =	vsub.f32 $5.000000000e-01, v0;
	v1 =	vmul.f32 $7.071067690e-01, v1  }
0x79: {  	v0 =	vsub.f32 $-5.000000000e-01, v0  }
0x7a: {  	v2 =	vmul.f32 v1, v2  }
0x7b: {  	v0 =	vmul.f32 v1, v0  }
0x7c: {  	v1 =	vand.u32 $0x7FFFFFFF, v2  }
0x7d: {  	v3 =	vand.u32 $0x7FFFFFFF, v0;
	v36 =	vmul.f32 $3.275910910e-01, v1  }
0x7e: {  	v37 =	vmul.f32 $3.275910910e-01, v3  }
0x7f: {  	v4 =	vadd.f32 $1.000000000e+00, v36  }
0x80: {  	v5 =	vadd.f32 $1.000000000e+00, v37  }
0x81: {  	(erf) = vrcp.f32 v4  }
0x82: {  	(erf) = vrcp.f32 v5;
	_ =	sdelay $0x7  }
0x83: {  	v4 =	vpop (erf)  }
0x84: {  	v38 =	vsub.f32 $0.0e+00, v3;
	v39 =	vpop (erf)  }
0x85: {  	v40 =	vmul.f32 $1.061405420e+00, v4;
	v41 =	vmul.f32 $1.061405420e+00, v39  }
0x86: {  	v42 =	vsub.f32 $0.0e+00, v1;
	v3 =	vmul.f32 v38, v3  }
0x87: {  	v7 =	vadd.f32 $-1.453152060e+00, v40;
	v8 =	vadd.f32 $-1.453152060e+00, v41  }
0x88: {  	v1 =	vmul.f32 v42, v1;
	v3 =	vmul.f32 $1.442695020e+00, v3  }
0x89: {  	v43 =	vmul.f32 v7, v4;
	v44 =	vmul.f32 v8, v39  }
0x8a: {  	v1 =	vmul.f32 $1.442695020e+00, v1  }
0x8b: {  	(erf) = vpow2.f32 v3;
	v3 =	vadd.f32 $1.421413780e+00, v43;
	v45 =	vadd.f32 $1.421413780e+00, v44  }
0x8c: {  	(erf) = vpow2.f32 v1  }
0x8d: {  	v1 =	vmul.f32 v3, v4;
	v3 =	vmul.f32 v45, v39;
	_ =	sdelay $0x1  }
0x8e: {  	v1 =	vadd.f32 $-2.844967250e-01, v1;
	v3 =	vadd.f32 $-2.844967250e-01, v3;
	_ =	sdelay $0x1  }
0x8f: {  	v1 =	vmul.f32 v1, v4;
	v3 =	vmul.f32 v3, v39;
	_ =	sdelay $0x1  }
0x90: {  	v1 =	vadd.f32 $2.548295860e-01, v1;
	v3 =	vadd.f32 $2.548295860e-01, v3;
	_ =	sdelay $0x1  }
0x91: {  	v46 =	vpop (erf);
	v1 =	vmul.f32 v1, v4;
	v3 =	vmul.f32 v3, v39  }
0x92: {  	v47 =	vpop (erf)  }
0x93: {  	v1 =	vmul.f32 v1, v47;
	v3 =	vmul.f32 v3, v46;
	_ =	sdelay $0x1  }
0x94: {  	v1 =	vsub.f32 $1.000000000e+00, v1;
	v3 =	vsub.f32 $1.000000000e+00, v3;
	_ =	sdelay $0x1  }
0x95: {  	v48 =	vsub.f32 $0.0e+00, v1;
	v49 =	vsub.f32 $0.0e+00, v3  }
0x96: {  	vm12 =	vlt.f32 v2, $0.0e+00;
	vm13 =	vlt.f32 v0, $0.0e+00  }
0x97: {  	v0 =	vsel vm12, v48, v1;
	v1 =	vsel vm13, v49, v3  }
0x98: {  	v0 =	vsub.f32 v0, v1;
	_ =	sdelay $0x1  }
0x99: {  	v0 =	vmul.f32 $5.000000000e-01, v0;
	_ =	sdelay $0x1  }
0x9a: {  	[tilespmem:s17+$0x0] =	vst v0  }
0x9b: {  	v0 =	vld [tilespmem:s16+$0x10];
	_ =	sdelay $0x4  }
0x9c: {  	v0 =	vmax.f32 v0, $1.099999990e-01  }
0x9d: {  	(erf) = vrcp.f32 v0  }
0x9e: {  	v1 =	vld [tilespmem:s19+$0x10]  }
0x9f: {  	v0 =	vld [tilespmem:s18+$0x10];
	_ =	sdelay $0x4  }
0xa0: {  	v0 =	vsub.f32 v0, v1;
	_ =	sdelay $0x1  }
0xa1: {  	v0 =	vand.u32 $0x7FFFFFFF, v0;
	v1 =	vpop (erf)  }
0xa2: {  	v2 =	vsub.f32 $5.000000000e-01, v0;
	v1 =	vmul.f32 $7.071067690e-01, v1  }
0xa3: {  	v0 =	vsub.f32 $-5.000000000e-01, v0  }
0xa4: {  	v2 =	vmul.f32 v1, v2  }
0xa5: {  	v0 =	vmul.f32 v1, v0  }
0xa6: {  	v1 =	vand.u32 $0x7FFFFFFF, v2  }
0xa7: {  	v3 =	vand.u32 $0x7FFFFFFF, v0;
	v50 =	vmul.f32 $3.275910910e-01, v1  }
0xa8: {  	v51 =	vmul.f32 $3.275910910e-01, v3  }
0xa9: {  	v4 =	vadd.f32 $1.000000000e+00, v50  }
0xaa: {  	v5 =	vadd.f32 $1.000000000e+00, v51  }
0xab: {  	(erf) = vrcp.f32 v4  }
0xac: {  	(erf) = vrcp.f32 v5;
	_ =	sdelay $0x7  }
0xad: {  	v4 =	vpop (erf)  }
0xae: {  	v52 =	vsub.f32 $0.0e+00, v1;
	v53 =	vpop (erf)  }
0xaf: {  	v54 =	vmul.f32 $1.061405420e+00, v4;
	v55 =	vmul.f32 $1.061405420e+00, v53  }
0xb0: {  	v56 =	vsub.f32 $0.0e+00, v3;
	v1 =	vmul.f32 v52, v1  }
0xb1: {  	v7 =	vadd.f32 $-1.453152060e+00, v54;
	v8 =	vadd.f32 $-1.453152060e+00, v55  }
0xb2: {  	v3 =	vmul.f32 v56, v3;
	v1 =	vmul.f32 $1.442695020e+00, v1  }
0xb3: {  	v57 =	vmul.f32 v7, v4;
	v58 =	vmul.f32 v8, v53  }
0xb4: {  	v3 =	vmul.f32 $1.442695020e+00, v3  }
0xb5: {  	(erf) = vpow2.f32 v1;
	v1 =	vadd.f32 $1.421413780e+00, v57;
	v59 =	vadd.f32 $1.421413780e+00, v58  }
0xb6: {  	(erf) = vpow2.f32 v3  }
0xb7: {  	v1 =	vmul.f32 v1, v4;
	v3 =	vmul.f32 v59, v53;
	_ =	sdelay $0x1  }
0xb8: {  	v1 =	vadd.f32 $-2.844967250e-01, v1;
	v3 =	vadd.f32 $-2.844967250e-01, v3;
	_ =	sdelay $0x1  }
0xb9: {  	v1 =	vmul.f32 v1, v4;
	v3 =	vmul.f32 v3, v53;
	_ =	sdelay $0x1  }
0xba: {  	v1 =	vadd.f32 $2.548295860e-01, v1;
	v3 =	vadd.f32 $2.548295860e-01, v3;
	_ =	sdelay $0x1  }
0xbb: {  	v60 =	vpop (erf);
	v1 =	vmul.f32 v1, v4;
	v3 =	vmul.f32 v3, v53  }
0xbc: {  	v61 =	vpop (erf)  }
0xbd: {  	v1 =	vmul.f32 v1, v60;
	v3 =	vmul.f32 v3, v61;
	_ =	sdelay $0x1  }
0xbe: {  	v1 =	vsub.f32 $1.000000000e+00, v1;
	v3 =	vsub.f32 $1.000000000e+00, v3;
	_ =	sdelay $0x1  }
0xbf: {  	v62 =	vsub.f32 $0.0e+00, v1;
	v63 =	vsub.f32 $0.0e+00, v3  }
0xc0: {  	s20 =	simm.s32 $0x2060;
	vm14 =	vlt.f32 v2, $0.0e+00;
	vm15 =	vlt.f32 v0, $0.0e+00  }
0xc1: {  	s21 =	simm.s32 $0x60;
	s19 =	simm.s32 $0x6020;
	s18 =	simm.s32 $0x0;
	v0 =	vsel vm14, v62, v1;
	v1 =	vsel vm15, v63, v3  }
.LBB2_3:
0xc2: {  	s18 =	sadd.s32 $0x4, s18;
	v0 =	vsub.f32 v0, v1;
	s17 =	sadd.s32 $0x40, s17;
	s16 =	sadd.s32 $0x40, s16  }
0xc3: {  	p0 =	slt.u32 s18, $0x1FC  }
0xc4: {  	v0 =	vmul.f32 $5.000000000e-01, v0;
	_ =	sdelay $0x1  }
0xc5: {  	[tilespmem:s19+$0x10] =	vst v0;
	s19 =	smov.u32 s17  }
0xc6: {  	v0 =	vld [tilespmem:s16+$0xFFFFFFE0];
	_ =	sdelay $0x4  }
0xc7: {  	v0 =	vmax.f32 v0, $1.099999990e-01  }
0xc8: {  	(erf) = vrcp.f32 v0  }
0xc9: {  	v0 =	vld [tilespmem:s21+$0xFFFFFFE0]  }
0xca: {  	v1 =	vld [tilespmem:s20+$0xFFFFFFE0];
	_ =	sdelay $0x4  }
0xcb: {  	v0 =	vsub.f32 v0, v1;
	_ =	sdelay $0x1  }
0xcc: {  	v0 =	vand.u32 $0x7FFFFFFF, v0;
	v1 =	vpop (erf)  }
0xcd: {  	v1 =	vmul.f32 $7.071067690e-01, v1;
	v2 =	vsub.f32 $5.000000000e-01, v0;
	v0 =	vsub.f32 $-5.000000000e-01, v0;
	_ =	sdelay $0x1  }
0xce: {  	v2 =	vmul.f32 v1, v2;
	v0 =	vmul.f32 v1, v0;
	_ =	sdelay $0x1  }
0xcf: {  	v1 =	vand.u32 $0x7FFFFFFF, v2;
	v3 =	vand.u32 $0x7FFFFFFF, v0  }
0xd0: {  	v4 =	vmul.f32 $3.275910910e-01, v1;
	v5 =	vsub.f32 $0.0e+00, v1;
	v6 =	vmul.f32 $3.275910910e-01, v3  }
0xd1: {  	v7 =	vsub.f32 $0.0e+00, v3  }
0xd2: {  	v4 =	vadd.f32 $1.000000000e+00, v4;
	v1 =	vmul.f32 v5, v1;
	v5 =	vadd.f32 $1.000000000e+00, v6  }
0xd3: {  	v3 =	vmul.f32 v7, v3  }
0xd4: {  	v1 =	vmul.f32 $1.442695020e+00, v1;
	(erf) = vrcp.f32 v4  }
0xd5: {  	v3 =	vmul.f32 $1.442695020e+00, v3;
	(erf) = vrcp.f32 v5;
	_ =	sdelay $0x7  }
0xd6: {  	v4 =	vpop (erf)  }
0xd7: {  	v5 =	vmul.f32 $1.061405420e+00, v4;
	v6 =	vpop (erf)  }
0xd8: {  	v7 =	vmul.f32 $1.061405420e+00, v6  }
0xd9: {  	v5 =	vadd.f32 $-1.453152060e+00, v5  }
0xda: {  	v7 =	vadd.f32 $-1.453152060e+00, v7  }
0xdb: {  	v5 =	vmul.f32 v5, v4  }
0xdc: {  	v7 =	vmul.f32 v7, v6  }
0xdd: {  	v5 =	vadd.f32 $1.421413780e+00, v5  }
0xde: {  	v7 =	vadd.f32 $1.421413780e+00, v7;
	(erf) = vpow2.f32 v1  }
0xdf: {  	v1 =	vmul.f32 v5, v4;
	(erf) = vpow2.f32 v3  }
0xe0: {  	v3 =	vmul.f32 v7, v6  }
0xe1: {  	v1 =	vadd.f32 $-2.844967250e-01, v1  }
0xe2: {  	v3 =	vadd.f32 $-2.844967250e-01, v3  }
0xe3: {  	v1 =	vmul.f32 v1, v4  }
0xe4: {  	v3 =	vmul.f32 v3, v6  }
0xe5: {  	v1 =	vadd.f32 $2.548295860e-01, v1  }
0xe6: {  	v3 =	vadd.f32 $2.548295860e-01, v3  }
0xe7: {  	v1 =	vmul.f32 v1, v4;
	v4 =	vpop (erf)  }
0xe8: {  	v3 =	vmul.f32 v3, v6;
	v5 =	vpop (erf)  }
0xe9: {  	v1 =	vmul.f32 v1, v4  }
0xea: {  	v3 =	vmul.f32 v3, v5  }
0xeb: {  	v1 =	vsub.f32 $1.000000000e+00, v1  }
0xec: {  	v3 =	vsub.f32 $1.000000000e+00, v3  }
0xed: {  	v4 =	vsub.f32 $0.0e+00, v1  }
0xee: {  	vm0 =	vlt.f32 v2, $0.0e+00;
	vm1 =	vlt.f32 v0, $0.0e+00;
	v0 =	vsub.f32 $0.0e+00, v3  }
0xef: {  	v1 =	vsel vm0, v4, v1  }
0xf0: {  	v0 =	vsel vm1, v0, v3  }
0xf1: {  	v0 =	vsub.f32 v1, v0;
	_ =	sdelay $0x1  }
0xf2: {  	v0 =	vmul.f32 $5.000000000e-01, v0;
	_ =	sdelay $0x1  }
0xf3: {  	[tilespmem:s17+$0xFFFFFFE0] =	vst v0  }
0xf4: {  	v0 =	vld [tilespmem:s16+$0xFFFFFFF0];
	_ =	sdelay $0x4  }
0xf5: {  	v0 =	vmax.f32 v0, $1.099999990e-01  }
0xf6: {  	v1 =	vld [tilespmem:s20+$0xFFFFFFF0];
	(erf) = vrcp.f32 v0  }
0xf7: {  	v0 =	vld [tilespmem:s21+$0xFFFFFFF0];
	_ =	sdelay $0x4  }
0xf8: {  	v0 =	vsub.f32 v0, v1;
	_ =	sdelay $0x1  }
0xf9: {  	v0 =	vand.u32 $0x7FFFFFFF, v0  }
0xfa: {  	v1 =	vsub.f32 $5.000000000e-01, v0;
	v0 =	vsub.f32 $-5.000000000e-01, v0;
	v2 =	vpop (erf)  }
0xfb: {  	v2 =	vmul.f32 $7.071067690e-01, v2;
	_ =	sdelay $0x1  }
0xfc: {  	v1 =	vmul.f32 v2, v1;
	v0 =	vmul.f32 v2, v0;
	_ =	sdelay $0x1  }
0xfd: {  	v2 =	vand.u32 $0x7FFFFFFF, v1;
	v3 =	vand.u32 $0x7FFFFFFF, v0  }
0xfe: {  	v4 =	vmul.f32 $3.275910910e-01, v2;
	v5 =	vsub.f32 $0.0e+00, v2;
	v6 =	vmul.f32 $3.275910910e-01, v3  }
0xff: {  	v7 =	vsub.f32 $0.0e+00, v3  }
0x100: {  	v4 =	vadd.f32 $1.000000000e+00, v4;
	v2 =	vmul.f32 v5, v2;
	v5 =	vadd.f32 $1.000000000e+00, v6  }
0x101: {  	v3 =	vmul.f32 v7, v3  }
0x102: {  	v2 =	vmul.f32 $1.442695020e+00, v2;
	(erf) = vrcp.f32 v4  }
0x103: {  	v3 =	vmul.f32 $1.442695020e+00, v3;
	(erf) = vrcp.f32 v5;
	_ =	sdelay $0x7  }
0x104: {  	v4 =	vpop (erf)  }
0x105: {  	v5 =	vmul.f32 $1.061405420e+00, v4;
	v6 =	vpop (erf)  }
0x106: {  	v7 =	vmul.f32 $1.061405420e+00, v6  }
0x107: {  	v5 =	vadd.f32 $-1.453152060e+00, v5  }
0x108: {  	v7 =	vadd.f32 $-1.453152060e+00, v7  }
0x109: {  	v5 =	vmul.f32 v5, v4  }
0x10a: {  	v7 =	vmul.f32 v7, v6  }
0x10b: {  	v5 =	vadd.f32 $1.421413780e+00, v5;
	(erf) = vpow2.f32 v2  }
0x10c: {  	v2 =	vadd.f32 $1.421413780e+00, v7;
	(erf) = vpow2.f32 v3  }
0x10d: {  	v3 =	vmul.f32 v5, v4  }
0x10e: {  	v2 =	vmul.f32 v2, v6  }
0x10f: {  	v3 =	vadd.f32 $-2.844967250e-01, v3  }
0x110: {  	v2 =	vadd.f32 $-2.844967250e-01, v2  }
0x111: {  	v3 =	vmul.f32 v3, v4  }
0x112: {  	v2 =	vmul.f32 v2, v6  }
0x113: {  	v3 =	vadd.f32 $2.548295860e-01, v3  }
0x114: {  	v2 =	vadd.f32 $2.548295860e-01, v2;
	v5 =	vpop (erf)  }
0x115: {  	v3 =	vmul.f32 v3, v4;
	v4 =	vpop (erf)  }
0x116: {  	v2 =	vmul.f32 v2, v6  }
0x117: {  	v3 =	vmul.f32 v3, v5  }
0x118: {  	v2 =	vmul.f32 v2, v4  }
0x119: {  	v3 =	vsub.f32 $1.000000000e+00, v3  }
0x11a: {  	v2 =	vsub.f32 $1.000000000e+00, v2  }
0x11b: {  	vm0 =	vlt.f32 v1, $0.0e+00;
	vm1 =	vlt.f32 v0, $0.0e+00;
	v1 =	vsub.f32 $0.0e+00, v3  }
0x11c: {  	v0 =	vsub.f32 $0.0e+00, v2  }
0x11d: {  	v1 =	vsel vm0, v1, v3  }
0x11e: {  	v0 =	vsel vm1, v0, v2  }
0x11f: {  	v0 =	vsub.f32 v1, v0;
	_ =	sdelay $0x1  }
0x120: {  	v0 =	vmul.f32 $5.000000000e-01, v0;
	_ =	sdelay $0x1  }
0x121: {  	[tilespmem:s17+$0xFFFFFFF0] =	vst v0  }
0x122: {  	v0 =	vld [tilespmem:s16+$0x0];
	_ =	sdelay $0x4  }
0x123: {  	v1 =	vld [tilespmem:s20+$0x0];
	v0 =	vmax.f32 v0, $1.099999990e-01  }
0x124: {  	v2 =	vld [tilespmem:s21+$0x0];
	(erf) = vrcp.f32 v0;
	_ =	sdelay $0x4  }
0x125: {  	v0 =	vsub.f32 v2, v1;
	_ =	sdelay $0x1  }
0x126: {  	v0 =	vand.u32 $0x7FFFFFFF, v0  }
0x127: {  	v1 =	vsub.f32 $5.000000000e-01, v0;
	v0 =	vsub.f32 $-5.000000000e-01, v0  }
0x128: {  	v2 =	vpop (erf)  }
0x129: {  	v2 =	vmul.f32 $7.071067690e-01, v2;
	_ =	sdelay $0x1  }
0x12a: {  	v1 =	vmul.f32 v2, v1;
	v0 =	vmul.f32 v2, v0;
	_ =	sdelay $0x1  }
0x12b: {  	v2 =	vand.u32 $0x7FFFFFFF, v1;
	v3 =	vand.u32 $0x7FFFFFFF, v0  }
0x12c: {  	v4 =	vmul.f32 $3.275910910e-01, v2;
	v5 =	vsub.f32 $0.0e+00, v2;
	v6 =	vmul.f32 $3.275910910e-01, v3  }
0x12d: {  	v7 =	vsub.f32 $0.0e+00, v3  }
0x12e: {  	v4 =	vadd.f32 $1.000000000e+00, v4;
	v2 =	vmul.f32 v5, v2;
	v5 =	vadd.f32 $1.000000000e+00, v6  }
0x12f: {  	v3 =	vmul.f32 v7, v3  }
0x130: {  	v2 =	vmul.f32 $1.442695020e+00, v2;
	(erf) = vrcp.f32 v4  }
0x131: {  	v3 =	vmul.f32 $1.442695020e+00, v3;
	(erf) = vrcp.f32 v5;
	_ =	sdelay $0x7  }
0x132: {  	v4 =	vpop (erf)  }
0x133: {  	v5 =	vmul.f32 $1.061405420e+00, v4;
	v6 =	vpop (erf)  }
0x134: {  	v7 =	vmul.f32 $1.061405420e+00, v6  }
0x135: {  	v5 =	vadd.f32 $-1.453152060e+00, v5  }
0x136: {  	v7 =	vadd.f32 $-1.453152060e+00, v7  }
0x137: {  	v5 =	vmul.f32 v5, v4  }
0x138: {  	v7 =	vmul.f32 v7, v6;
	(erf) = vpow2.f32 v3  }
0x139: {  	v3 =	vadd.f32 $1.421413780e+00, v5;
	(erf) = vpow2.f32 v2  }
0x13a: {  	v2 =	vadd.f32 $1.421413780e+00, v7  }
0x13b: {  	v3 =	vmul.f32 v3, v4  }
0x13c: {  	v2 =	vmul.f32 v2, v6  }
0x13d: {  	v3 =	vadd.f32 $-2.844967250e-01, v3  }
0x13e: {  	v2 =	vadd.f32 $-2.844967250e-01, v2  }
0x13f: {  	v3 =	vmul.f32 v3, v4  }
0x140: {  	v2 =	vmul.f32 v2, v6  }
0x141: {  	v3 =	vadd.f32 $2.548295860e-01, v3;
	v5 =	vpop (erf)  }
0x142: {  	v2 =	vadd.f32 $2.548295860e-01, v2;
	v7 =	vpop (erf)  }
0x143: {  	v3 =	vmul.f32 v3, v4  }
0x144: {  	v2 =	vmul.f32 v2, v6  }
0x145: {  	v3 =	vmul.f32 v3, v7  }
0x146: {  	v2 =	vmul.f32 v2, v5  }
0x147: {  	v3 =	vsub.f32 $1.000000000e+00, v3  }
0x148: {  	vm0 =	vlt.f32 v1, $0.0e+00;
	vm1 =	vlt.f32 v0, $0.0e+00;
	v1 =	vsub.f32 $1.000000000e+00, v2  }
0x149: {  	v0 =	vsub.f32 $0.0e+00, v3  }
0x14a: {  	v2 =	vsub.f32 $0.0e+00, v1  }
0x14b: {  	v0 =	vsel vm0, v0, v3  }
0x14c: {  	v1 =	vsel vm1, v2, v1  }
0x14d: {  	v0 =	vsub.f32 v0, v1;
	_ =	sdelay $0x1  }
0x14e: {  	v0 =	vmul.f32 $5.000000000e-01, v0;
	_ =	sdelay $0x1  }
0x14f: {  	[tilespmem:s17+$0x0] =	vst v0  }
0x150: {  	v0 =	vld [tilespmem:s16+$0x10]  }
0x151: {  	v1 =	vld [tilespmem:s21+$0x10]  }
0x152: {  	v2 =	vld [tilespmem:s20+$0x10];
	_ =	sdelay $0x2  }
0x153: {  	v0 =	vmax.f32 v0, $1.099999990e-01  }
0x154: {  	(erf) = vrcp.f32 v0  }
0x155: {  	v0 =	vsub.f32 v1, v2;
	_ =	sdelay $0x4  }
0x156: {  	v0 =	vand.u32 $0x7FFFFFFF, v0  }
0x157: {  	v1 =	vsub.f32 $5.000000000e-01, v0;
	v0 =	vsub.f32 $-5.000000000e-01, v0;
	_ =	sdelay $0x1  }
0x158: {  	v2 =	vpop (erf)  }
0x159: {  	v2 =	vmul.f32 $7.071067690e-01, v2;
	_ =	sdelay $0x1  }
0x15a: {  	v1 =	vmul.f32 v2, v1;
	v0 =	vmul.f32 v2, v0;
	_ =	sdelay $0x1  }
0x15b: {  	v2 =	vand.u32 $0x7FFFFFFF, v1;
	v3 =	vand.u32 $0x7FFFFFFF, v0  }
0x15c: {  	v4 =	vmul.f32 $3.275910910e-01, v2;
	v5 =	vsub.f32 $0.0e+00, v2;
	v6 =	vmul.f32 $3.275910910e-01, v3  }
0x15d: {  	v7 =	vsub.f32 $0.0e+00, v3  }
0x15e: {  	v4 =	vadd.f32 $1.000000000e+00, v4;
	v2 =	vmul.f32 v5, v2;
	v5 =	vadd.f32 $1.000000000e+00, v6  }
0x15f: {  	v3 =	vmul.f32 v7, v3  }
0x160: {  	v2 =	vmul.f32 $1.442695020e+00, v2;
	(erf) = vrcp.f32 v4  }
0x161: {  	v3 =	vmul.f32 $1.442695020e+00, v3;
	(erf) = vrcp.f32 v5;
	_ =	sdelay $0x7  }
0x162: {  	v4 =	vpop (erf)  }
0x163: {  	v5 =	vmul.f32 $1.061405420e+00, v4;
	v6 =	vpop (erf)  }
0x164: {  	v7 =	vmul.f32 $1.061405420e+00, v6  }
0x165: {  	v5 =	vadd.f32 $-1.453152060e+00, v5  }
0x166: {  	v7 =	vadd.f32 $-1.453152060e+00, v7  }
0x167: {  	v5 =	vmul.f32 v5, v4;
	(erf) = vpow2.f32 v2  }
0x168: {  	v2 =	vmul.f32 v7, v6;
	(erf) = vpow2.f32 v3  }
0x169: {  	v3 =	vadd.f32 $1.421413780e+00, v5  }
0x16a: {  	v2 =	vadd.f32 $1.421413780e+00, v2  }
0x16b: {  	v3 =	vmul.f32 v3, v4  }
0x16c: {  	v2 =	vmul.f32 v2, v6  }
0x16d: {  	v3 =	vadd.f32 $-2.844967250e-01, v3  }
0x16e: {  	v2 =	vadd.f32 $-2.844967250e-01, v2  }
0x16f: {  	v3 =	vmul.f32 v3, v4  }
0x170: {  	v2 =	vmul.f32 v2, v6;
	v5 =	vpop (erf)  }
0x171: {  	v3 =	vadd.f32 $2.548295860e-01, v3;
	v7 =	vpop (erf)  }
0x172: {  	v2 =	vadd.f32 $2.548295860e-01, v2  }
0x173: {  	v3 =	vmul.f32 v3, v4  }
0x174: {  	v2 =	vmul.f32 v2, v6  }
0x175: {  	v3 =	vmul.f32 v3, v5  }
0x176: {  	v2 =	vmul.f32 v2, v7  }
0x177: {  	vm0 =	vlt.f32 v1, $0.0e+00;
	vm1 =	vlt.f32 v0, $0.0e+00;
	v3 =	vsub.f32 $1.000000000e+00, v3  }
.Ltmp0:
0x178: {  	v1 =	vsub.f32 $1.000000000e+00, v2;
	(pc) =	sbr.rel @p0 .LBB2_3-.Ltmp0, $4  }
0x179: {  	v0 =	vsub.f32 $0.0e+00, v3  }
0x17a: {  	v2 =	vsub.f32 $0.0e+00, v1  }
0x17b: {  	v0 =	vsel vm0, v0, v3  }
0x17c: {  	s21 =	sadd.s32 $0x40, s21;
	s20 =	sadd.s32 $0x40, s20;
	v1 =	vsel vm1, v2, v1  }
0x17d: {  	v0 =	vsub.f32 v0, v1;
	_ =	sdelay $0x1  }
0x17e: {  	v0 =	vmul.f32 $5.000000000e-01, v0;
	_ =	sdelay $0x1  }
0x17f: {  	s16 =	sadd.s32 s6, s15;
	[tilespmem:s19+$0x10] =	vst v0  }
0x180: {  	[hbm4b:s16+s4] =	stream.linear.scatter [tilespmem:s12], [sflag:$0x1], $0x2000, $0x38;
	[tilespmem:$0x8000] =	vst v63  }
0x181: {  	s14 =	sadd.s32 $0x1, s14;
	_ =	swait.ge [sflag:s9], $0x2000  }
0x182: {  	p0 =	sne.s32 s14, $0x30;
	[sflag:s9] =	ssyncset.done $0x0  }
.Ltmp1:
0x183: {  	s31 =	sadd.s32 s2, s15;
	[sflag:s9] =	ssyncadd.s32 $0xFFFFE000;
	(pc) =	sbr.rel @p0 .LBB2_2-.Ltmp1, $4  }
0x184: {  	[hbm4b:s31+s4] =	stream.linear.scatter [tilespmem:s4], [sflag:$0x1], $0x2000, $0x38;
	[tilespmem:$0x8000] =	vst v63  }
0x185: {  	_ =	swait.ge [sflag:s9], $0x2000  }
0x186: {  	[sflag:s9] =	ssyncset.done $0x0  }
0x187: {  	[sflag:s9] =	ssyncadd.s32 $0xFFFFE000  }
0x188: {  	s13 =	sadd.s32 $0x1, s13  }
0x189: {  	p0 =	sne.s32 s13, s8  }
.Ltmp2:
0x18a: {  	_ = 	snop;
	(pc) =	sbr.rel @p0 .LBB2_1-.Ltmp2, $1  }
0x18b: {  	_ =	sdelay $0x3  }
0x18c: {  	_ =	sfence.sel $0x180000  }
0x18d: {  	[bflag:$0x0] =	sbarrier.arrive $0xFFFF  }
0x18e: {  	p0 =	sne.s32 s3, $0x0;
	_ =	strace $0x9000004D  }
0x18f: {  	s0 =	sadd.s32 @!p0 $0x100000, s0;
	[bflag:$0x2] =	sbarrier.arrive $0xFFFF  }
0x190: {  	[sflag:s0] =	ssyncadd.tile.s32 @!p0 $0x1;
	_ =	shalt  }
.Lfunc_end2:
_tile_overlayer_lowered:
.L_overlay_start_2:
0x191: {  	(tag) =	ssettag $0x2  }
0x192: {  	s0 =	rddreg [dreg:$0x0];
	s2 =	stileid.u32  }
0x193: {  	s1 =	rddreg [dreg:$0x1];
	p0 =	sne.s32 s2, $0x0  }
0x194: {  	s3 =	rddreg [dreg:$0x2];
	[bflag:$0x3] =	sbarrier.arrive $0xFFFF;
	s2 =	simm.s32 @!p0 $0x1C01  }
0x195: {  	[timem:s3], [sflag:s2] =	dma.local @!p0 [hbm:s0], s1  }
0x196: {  	s0 =	simm.s32 @!p0 $0x1  }
0x197: {  	_ =	swait.ge @!p0 [sflag:s0], s1  }
0x198: {  	s1 =	ssub.s32 @!p0 $0x0, s1;
	[sflag:s0] =	ssyncset.done @!p0 $0x0  }
0x199: {  	[sflag:s0] =	ssyncadd.s32 @!p0 s1  }
0x19a: {  	[bflag:$0x3] =	sbarrier.arrive $0xFFFF  }
0x19b: {  	_ =	shalt  }

// kernel: sparse-core-data-format-call.1.cloned.1.call-start
scs
called_computation.1_lowered:
.L_overlay_start_0:
0x0: {  	s2 =	sld [smem:$0x3FD9]  }
0x1: {  	s3 =	sld [smem:$0x3FFE];
	_ =	sdelay $0x1  }
0x2: {  	s1 =	srdreg.scid  }
0x3: {  	s0 =	sand.u32 $0x1, s1  }
0x4: {  	s16 =	sshll.u32 s0, $0xA;
	s2 =	sadd.s32 s3, s2  }
0x5: {  	s2 =	sadd.s32 s2, s16  }
0x6: {  	[smem:$0x3FC6] =	sst s2  }
0x7: {  	_ = 	snop  }
0x8: {  	s2 =	sld [smem:$0x3FD0];
	_ =	sdelay $0x2  }
0x9: {  	s4 =	simm.s32 $0xB;
	s5 =	simm.s32 $0x10;
	s17 =	sld [smem:$0x3FC9]  }
0xa: {  	[smem:s5], [sflag:s4] =	dma.local [hbm:s2], $0x1  }
0xb: {  	_ =	swait.eq [sflag:s4], $0x1  }
0xc: {  	[sflag:s4] =	ssyncset.done $0x0  }
0xd: {  	[sflag:s4] =	ssyncadd.s32 $0xFFFFFFFF  }
0xe: {  	s18 =	sld [smem:$0x10];
	(tm) =	ssettm $0x1  }
0xf: {  	s19 =	sld [smem:$0x3FFB];
	_ =	sdelay $0x3  }
0x10: {  	_ =	strace s19  }
0x11: {  	s4 =	sld [smem:$0x3FFC];
	_ =	sdelay $0x3  }
0x12: {  	_ =	strace s4  }
0x13: {  	s4 =	sld [smem:$0x3FFD];
	_ =	sdelay $0x3  }
0x14: {  	_ =	strace s4  }
0x15: {  	_ =	strace $0x8FFFFFFF  }
0x16: {  	s20 =	sld [smem:$0x3FDB];
	_ =	sdelay $0x1  }
0x17: {  	s21 =	simm.s32 $_scs_section_size  }
0x18: {  	s6 =	simm.s32 $_size__tile_overlayer_lowered;
	s7 =	simm.s32 $_tile_overlayer_lowered  }
0x19: {  	s24 =	simm.s32 $0x1BFF;
	s23 =	sshll.u32 s7, $0x1;
	s4 =	sadd.s32 s21, s20  }
0x1a: {  	s8 =	simm.s32 $0x0;
	s22 =	sshll.u32 s6, $0x1;
	s6 =	sadd.s32 s23, s4  }
0x1b: {  	[timem:s8], [sflag:s24] =	dma.local [hbm:s6], s22  }
0x1c: {  	_ =	swait.ge [sflag:s24], s22  }
0x1d: {  	s5 =	ssub.s32 $0x0, s22;
	[sflag:s24] =	ssyncset.done $0x0  }
0x1e: {  	[sflag:s24] =	ssyncadd.s32 s5;
	_ =	sdelay $0x1  }
0x1f: {  	s25 =	simm.s32 $0x1B8B  }
0x20: {  	_ =	swait.ge [sflag:s25], $0x1  }
0x21: {  	[sflag:s25] =	ssyncset.done $0x0  }
0x22: {  	s26 =	simm.s32 $0x1B8E;
	[sflag:s25] =	ssyncadd.s32 $0xFFFFFFFF  }
0x23: {  	s27 =	simm.s32 $execute0_lowered;
	[smem:$0x3FD2] =	sst s26  }
0x24: {  	s5 =	sshll.u32 s27, $0x1;
	_ =	strace $0x80000046;
	[dreg:$0x1] =	wrdreg $0xFFFFFFFF  }
0x25: {  	s28 =	simm.s32 $_size_execute0_lowered;
	s4 =	sadd.s32 s4, s5;
	[dreg:$0x0] =	wrdreg $0x0  }
0x26: {  	s5 =	sshll.u32 s28, $0x1;
	[dreg:$0x2] =	wrdreg s4  }
0x27: {  	[dreg:$0x3] =	wrdreg s5  }
0x28: {  	[dreg:$0x4] =	wrdreg $0xC0  }
0x29: {  	_ =	task [dreg:s8], $0x5FFFF  }
0x2a: {  	[dreg:$0x1] =	wrdreg $0xFFFFFFFF  }
0x2b: {  	[dreg:$0x0] =	wrdreg $0x60  }
0x2c: {  	[dreg:$0x2] =	wrdreg s17  }
0x2d: {  	[dreg:$0x3] =	wrdreg s18  }
0x2e: {  	[dreg:$0x4] =	wrdreg $0xA  }
0x2f: {  	_ =	task.clear_ibuf [dreg:s8], $0x5FFFF;
	_ =	strace $0x90000046  }
0x30: {  	s29 =	simm.s32 $0xA;
	_ =	strace $0x80000048  }
0x31: {  	_ =	swait.ge [sflag:s29], $0x1  }
0x32: {  	[sflag:s29] =	ssyncadd.s32 $0xFFFFFFFF  }
0x33: {  	_ =	strace $0x90000048  }
0x34: {  	_ =	sfence  }
0x35: {  	s30 =	sld [smem:$0x0];
	_ =	sdelay $0x2  }
0x36: {  	s31 =	sshll.u32 s1, $0xD;
	s1 =	sshrl.u32 s1, $0x2  }
0x37: {  	s3 =	sand.u32 $0x4000, s31;
	s1 =	sadd.s32 s1, s30  }
0x38: {  	s0 =	sor.u32 s3, s0;
	s1 =	sshll.u32 s1, $0x11  }
0x39: {  	s0 =	sor.u32 s1, s0  }
0x3a: {  	s0 =	sadd.s32 $0x8F2B, s0  }
0x3b: {  	[sflag:s0] =	ssyncadd.remote.s32 $0x1  }
0x3c: {  	_ =	sfence.sel $0xFFFF  }
0x3d: {  	[dreg:$0x0] =	wrdreg $0xFFFFFFFF;
	(pc) =	sbr.abs _section_cstart, $3  }
0x3e: {  	[dreg:$0x1] =	wrdreg $0xFFFFFFFF  }
0x3f: {  	_ =	task.clear_ibuf [dreg:s8], $0x2FFFF;
	_ =	strace $0x9FFFFFFF  }
0x40: {  	(tm) =	ssettm $0x7FFFFFFF  }
0x41: {  	_ =	shalt  }
tec
execute0_lowered:
.L_overlay_start_1:
0x0: {  	(tag) =	ssettag $0x1  }
0x1: {  	s0 =	srdreg.scid  }
0x2: {  	s1 =	sshll.u32 s0, $0x4  }
0x3: {  	s2 =	rddreg [dreg:$0x0];
	s0 =	stileid.u32;
	s1 =	sand.u32 $0x10, s1  }
0x4: {  	s4 =	rddreg [dreg:$0x1];
	s1 =	sor.u32 s0, s1  }
0x5: {  	s7 =	simm.s32 $0x1;
	s8 =	simm.s32 $0x2;
	s3 =	sshll.u32 s1, $0x3  }
0x6: {  	s9 =	simm.s32 $0x0;
	s12 =	simm.s32 $0x0;
	s6 =	ssub.s32 $0x1800, s3  }
.Ltmp0:
0x7: {  	s11 =	simm.s32 $0x0;
	s5 =	sand.u32 $0xF8, s6;
	(pc) =	sbr.rel .LBB1_1-.Ltmp0, $4  }
0x8: {  	s1 =	rddreg [dreg:$0x2];
	_ =	strace $0x80000047;
	p0 =	sne.s32 s5, $0x0  }
0x9: {  	s6 =	sshrl.u32 s6, $0x8;
	s5 =	simm.s32 $0x1;
	s7 =	simm.s32 @!p0 $0x0  }
0xa: {  	s10 =	smov.u32 s3;
	[sflag:s5] =	ssyncpa.u1 $0x0;
	s6 =	sadd.s32 s7, s6  }
0xb: {  	[sflag:s8] =	ssyncpa.u1 $0x0;
	s8 =	simm.s32 $0x0;
	s7 =	sadd.s32 $0x1, s6  }
.LBB1_9:
0xc: {  	s14 =	sadd.s32 $0x100, s10  }
0xd: {  	p1 =	sgt.s32 s14, $0x17FF  }
0xe: {  	s14 =	smov.u32 @p1 s3;
	p1 =	sne.s32 s11, s7  }
.Ltmp1:
0xf: {  	p0 =	slt.u32 s11, $0x2;
	(pc) =	sbr.rel @!p1 .LBB1_10-.Ltmp1, $4  }
0x10: {  	s13 =	simm.s32 @!p0 $0x2  }
0x11: {  	s15 =	sadd.s32 $0x1, s11;
	_ =	swait.ge @!p0 [sflag:s13], $0x4000  }
0x12: {  	s12 =	smov.u32 s10;
	s9 =	sadd.s32 $0x4000, s9;
	[sflag:s13] =	ssyncset.done @!p0 $0x0  }
0x13: {  	s11 =	smov.u32 s15;
	s10 =	smov.u32 s14;
	[sflag:s13] =	ssyncadd.s32 @!p0 $0xFFFFC000  }
.LBB1_1:
0x14: {  	p0 =	sge.u32 s11, s6  }
0x15: {  	s13 =	sxor.u32 @!p0 $0xFFFFFFFF, s11  }
0x16: {  	s31 =	sadd.s32 $0xFFFFFFFF, s11;
	s14 =	sshll.u32 @!p0 s10, $0x8;
	s13 =	sshll.u32 @!p0 s13, $0xE  }
0x17: {  	s15 =	simm.s32 @!p0 $0x0;
	s14 =	sadd.s32 @!p0 s2, s14;
	s13 =	sand.u32 @!p0 $0x4000, s13  }
0x18: {  	[tilespmem:s13], [sflag:$0x1] =	stream.linear.gather @!p0 [hbm4b:s14+s15], $0x4000, $0x38;
	[tilespmem:$0x10000] =	vst v63  }
0x19: {  	p0 =	sge.u32 s31, s6  }
.Ltmp2:
0x1a: {  	_ = 	snop;
	(pc) =	sbr.rel @p0 .LBB1_9-.Ltmp2, $1  }
0x1b: {  	_ =	sdelay $0x3  }
0x1c: {  	s13 =	sshll.u32 s9, $0x2;
	_ =	swait.ge [sflag:s5], $0x4000;
	s14 =	sshll.u32 s11, $0xE  }
0x1d: {  	s16 =	simm.s32 $0x0;
	s17 =	simm.s32 $0x0;
	s15 =	sand.u32 $0x10000, s13  }
0x1e: {  	[sflag:s5] =	ssyncset.done $0x0;
	s31 =	sand.u32 $0x4000, s14;
	s14 =	sshrl.u32 s15, $0x2  }
0x1f: {  	[sflag:s5] =	ssyncadd.s32 $0xFFFFC000;
	s13 =	sor.u32 $0x8000, s31;
	s15 =	sor.u32 $0x8000, s14  }
.LBB1_3:
0x20: {  	s18 =	sshra.s32 s16, $0x2  }
0x21: {  	v0 =	vmov s18;
	_ =	sdelay $0x3  }
0x22: {  	p1 =	por $0x1, $0x1;
	s18 =	simm.s32 $0x0  }
.LBB1_4:
0x23: {  	_ = 	snop  }
0x24: {  	s19 =	sshll.u32 s18, $0xA  }
0x25: {  	s19 =	sand.u32 $0x3FFFFC00, s19  }
0x26: {  	s19 =	sadd.s32 s19, s14  }
0x27: {  	v5 =	vld.idx.msk [tilespmem:v0+s19+$0x70 ss:$0x1], $0xffff  }
0x28: {  	v6 =	vld.idx.msk [tilespmem:v0+s19+$0x10 ss:$0x1], $0xffff  }
0x29: {  	v7 =	vld.idx.msk [tilespmem:v0+s19+$0x20 ss:$0x1], $0xffff  }
0x2a: {  	s31 =	sshll.u32 s18, $0x7;
	v1 =	vld.idx.msk [tilespmem:v0+s19+$0x30 ss:$0x1], $0xffff  }
0x2b: {  	s18 =	sand.u32 $0x3FFFFF80, s31;
	v2 =	vld.idx.msk [tilespmem:v0+s19+$0x40 ss:$0x1], $0xffff  }
0x2c: {  	s18 =	sadd.s32 s18, s15;
	v3 =	vld.idx.msk [tilespmem:v0+s19+$0x50 ss:$0x1], $0xffff  }
0x2d: {  	v4 =	vld.idx.msk [tilespmem:v0+s19+$0x60 ss:$0x1], $0xffff;
	[tilespmem:v0+s18+$0x70 ss:$0x1] =	vst.idx.msk $0xffff, v5  }
0x2e: {  	v5 =	vld.idx.msk [tilespmem:v0+s19+$0x0 ss:$0x1], $0xffff;
	[tilespmem:v0+s18+$0x10 ss:$0x1] =	vst.idx.msk $0xffff, v6;
	s19 =	sadd.s32 $0x80, s19  }
0x2f: {  	p0 =	por p1, p1;
	s20 =	simm.s32 $0x6;
	[tilespmem:v0+s18+$0x20 ss:$0x1] =	vst.idx.msk $0xffff, v7;
	v6 =	vld.idx.msk [tilespmem:v0+s19+$0x70 ss:$0x1], $0xffff  }
.LBB1_5:
0x30: {  	p1 =	sne.s32 s20, $0x1;
	v7 =	vld.idx.msk [tilespmem:v0+s19+$0x10 ss:$0x1], $0xffff;
	[tilespmem:v0+s18+$0x30 ss:$0x1] =	vst.idx.msk $0xffff, v1  }
0x31: {  	v8 =	vld.idx.msk [tilespmem:v0+s19+$0x20 ss:$0x1], $0xffff;
	[tilespmem:v0+s18+$0x40 ss:$0x1] =	vst.idx.msk $0xffff, v2  }
0x32: {  	v1 =	vld.idx.msk [tilespmem:v0+s19+$0x30 ss:$0x1], $0xffff;
	[tilespmem:v0+s18+$0x50 ss:$0x1] =	vst.idx.msk $0xffff, v3  }
.Ltmp3:
0x33: {  	v2 =	vld.idx.msk [tilespmem:v0+s19+$0x40 ss:$0x1], $0xffff;
	[tilespmem:v0+s18+$0x60 ss:$0x1] =	vst.idx.msk $0xffff, v4;
	(pc) =	sbr.rel @p1 .LBB1_5-.Ltmp3, $4  }
0x34: {  	v3 =	vld.idx.msk [tilespmem:v0+s19+$0x50 ss:$0x1], $0xffff;
	[tilespmem:v0+s18+$0x0 ss:$0x1] =	vst.idx.msk $0xffff, v5;
	s18 =	sadd.s32 $0x100, s18  }
0x35: {  	v4 =	vld.idx.msk [tilespmem:v0+s19+$0x60 ss:$0x1], $0xffff;
	[tilespmem:v0+s18+$0x70 ss:$0x1] =	vst.idx.msk $0xffff, v6  }
0x36: {  	v5 =	vld.idx.msk [tilespmem:v0+s19+$0x0 ss:$0x1], $0xffff;
	[tilespmem:v0+s18+$0x10 ss:$0x1] =	vst.idx.msk $0xffff, v7;
	s19 =	sadd.s32 $0x80, s19  }
0x37: {  	s20 =	sadd.s32 $0xFFFFFFFF, s20;
	v6 =	vld.idx.msk [tilespmem:v0+s19+$0x70 ss:$0x1], $0xffff;
	[tilespmem:v0+s18+$0x20 ss:$0x1] =	vst.idx.msk $0xffff, v8  }
0x38: {  	_ =	sdelay $0x3  }
0x39: {  	[tilespmem:v0+s18+$0x30 ss:$0x1] =	vst.idx.msk $0xffff, v1  }
0x3a: {  	v1 =	vld.idx.msk [tilespmem:v0+s19+$0x10 ss:$0x1], $0xffff;
	[tilespmem:v0+s18+$0x40 ss:$0x1] =	vst.idx.msk $0xffff, v2  }
0x3b: {  	v2 =	vld.idx.msk [tilespmem:v0+s19+$0x20 ss:$0x1], $0xffff;
	[tilespmem:v0+s18+$0x50 ss:$0x1] =	vst.idx.msk $0xffff, v3  }
0x3c: {  	v61 =	vld.idx.msk [tilespmem:v0+s19+$0x40 ss:$0x1], $0xffff;
	[tilespmem:v0+s18+$0x60 ss:$0x1] =	vst.idx.msk $0xffff, v4  }
0x3d: {  	s31 =	sadd.s32 $0x100, s18;
	v62 =	vld.idx.msk [tilespmem:v0+s19+$0x50 ss:$0x1], $0xffff;
	[tilespmem:v0+s18+$0x0 ss:$0x1] =	vst.idx.msk $0xffff, v5  }
0x3e: {  	v63 =	vld.idx.msk [tilespmem:v0+s19+$0x60 ss:$0x1], $0xffff;
	[tilespmem:v0+s31+$0x70 ss:$0x1] =	vst.idx.msk $0xffff, v6  }
0x3f: {  	v3 =	vld.idx.msk [tilespmem:v0+s19+$0x30 ss:$0x1], $0xffff;
	[tilespmem:v0+s31+$0x10 ss:$0x1] =	vst.idx.msk $0xffff, v1  }
0x40: {  	v1 =	vld.idx.msk [tilespmem:v0+s19+$0x0 ss:$0x1], $0xffff;
	[tilespmem:v0+s31+$0x20 ss:$0x1] =	vst.idx.msk $0xffff, v2  }
.Ltmp4:
0x41: {  	[tilespmem:v0+s31+$0x40 ss:$0x1] =	vst.idx.msk $0xffff, v61;
	(pc) =	sbr.rel @p0 .LBB1_4-.Ltmp4, $4  }
0x42: {  	[tilespmem:v0+s31+$0x50 ss:$0x1] =	vst.idx.msk $0xffff, v62  }
0x43: {  	[tilespmem:v0+s31+$0x60 ss:$0x1] =	vst.idx.msk $0xffff, v63  }
0x44: {  	[tilespmem:v0+s31+$0x30 ss:$0x1] =	vst.idx.msk $0xffff, v3  }
0x45: {  	p1 =	por $0x0, $0x0;
	s18 =	simm.s32 $0x1;
	[tilespmem:v0+s31+$0x0 ss:$0x1] =	vst.idx.msk $0xffff, v1  }
0x46: {  	s17 =	sadd.s32 $0x1, s17  }
0x47: {  	p0 =	sne.s32 s17, $0x8  }
.Ltmp5:
0x48: {  	_ = 	snop;
	(pc) =	sbr.rel @p0 .LBB1_3-.Ltmp5, $2  }
0x49: {  	_ =	sdelay $0x2  }
0x4a: {  	s16 =	sadd.s32 $0x2000, s16  }
.Ltmp6:
0x4b: {  	(pc) =	sbr.rel .LBB1_9-.Ltmp6, $4  }
0x4c: {  	_ = 	snop  }
0x4d: {  	s12 =	sshll.u32 s12, $0x8  }
0x4e: {  	s12 =	sadd.s32 s4, s12  }
0x4f: {  	[hbm4b:s12+s8] =	stream.linear.scatter [tilespmem:s13], [sflag:$0x2], $0x4000, $0x38;
	[tilespmem:$0x10000] =	vst v63  }
.LBB1_10:
0x50: {  	_ =	sfence.sel $0x180000  }
0x51: {  	s2 =	simm.s32 $0x1;
	[bflag:$0x0] =	sbarrier.arrive $0xFFFF  }
0x52: {  	s31 =	simm.s32 $0x2;
	[sflag:s2] =	ssyncpa.u1 $0x1  }
0x53: {  	[sflag:s31] =	ssyncpa.u1 $0x1  }
0x54: {  	p0 =	sne.s32 s0, $0x0;
	_ =	strace $0x90000047  }
0x55: {  	s0 =	sadd.s32 @!p0 $0x100000, s1;
	[bflag:$0x2] =	sbarrier.arrive $0xFFFF  }
0x56: {  	[sflag:s0] =	ssyncadd.tile.s32 @!p0 $0x1;
	_ =	shalt  }
.Lfunc_end1:
_tile_overlayer_lowered:
.L_overlay_start_2:
0x57: {  	(tag) =	ssettag $0x2  }
0x58: {  	s0 =	rddreg [dreg:$0x0];
	s2 =	stileid.u32  }
0x59: {  	s1 =	rddreg [dreg:$0x1];
	p0 =	sne.s32 s2, $0x0  }
0x5a: {  	s3 =	rddreg [dreg:$0x2];
	[bflag:$0x3] =	sbarrier.arrive $0xFFFF;
	s2 =	simm.s32 @!p0 $0x1C01  }
0x5b: {  	[timem:s3], [sflag:s2] =	dma.local @!p0 [hbm:s0], s1  }
0x5c: {  	s0 =	simm.s32 @!p0 $0x1  }
0x5d: {  	_ =	swait.ge @!p0 [sflag:s0], s1  }
0x5e: {  	s1 =	ssub.s32 @!p0 $0x0, s1;
	[sflag:s0] =	ssyncset.done @!p0 $0x0  }
0x5f: {  	[sflag:s0] =	ssyncadd.s32 @!p0 s1  }
0x60: {  	[bflag:$0x3] =	sbarrier.arrive $0xFFFF  }
0x61: {  	_ =	shalt  }

// kernel: sparse-core-data-format-call.cloned.1.call-start
scs
called_computation_lowered:
.L_overlay_start_0:
0x0: {  	s2 =	sld [smem:$0x3FD9]  }
0x1: {  	s3 =	sld [smem:$0x3FFE];
	_ =	sdelay $0x1  }
0x2: {  	s1 =	srdreg.scid  }
0x3: {  	s0 =	sand.u32 $0x1, s1  }
0x4: {  	s18 =	sshll.u32 s0, $0xA;
	s2 =	sadd.s32 s3, s2  }
0x5: {  	s2 =	sadd.s32 s2, s18  }
0x6: {  	[smem:$0x3FC6] =	sst s2  }
0x7: {  	_ = 	snop  }
0x8: {  	s19 =	sld [smem:$0x3FC8];
	(tm) =	ssettm $0x1  }
0x9: {  	s20 =	sld [smem:$0x3FFB];
	_ =	sdelay $0x3  }
0xa: {  	_ =	strace s20  }
0xb: {  	s2 =	sld [smem:$0x3FFC];
	_ =	sdelay $0x3  }
0xc: {  	_ =	strace s2  }
0xd: {  	s2 =	sld [smem:$0x3FFD];
	_ =	sdelay $0x3  }
0xe: {  	_ =	strace s2  }
0xf: {  	_ =	strace $0x8FFFFFFF  }
0x10: {  	s21 =	sld [smem:$0x3FDB];
	_ =	sdelay $0x1  }
0x11: {  	s4 =	simm.s32 $_scs_section_size  }
0x12: {  	s5 =	simm.s32 $_size__tile_overlayer_lowered;
	s6 =	simm.s32 $_tile_overlayer_lowered  }
0x13: {  	s7 =	simm.s32 $0x1BFF;
	s22 =	sshll.u32 s6, $0x1;
	s4 =	sadd.s32 s4, s21  }
0x14: {  	s23 =	simm.s32 $0x0;
	s5 =	sshll.u32 s5, $0x1;
	s6 =	sadd.s32 s22, s4  }
0x15: {  	[timem:s23], [sflag:s7] =	dma.local [hbm:s6], s5  }
0x16: {  	_ =	swait.ge [sflag:s7], s5  }
0x17: {  	s5 =	ssub.s32 $0x0, s5;
	[sflag:s7] =	ssyncset.done $0x0  }
0x18: {  	[sflag:s7] =	ssyncadd.s32 s5;
	_ =	sdelay $0x1  }
0x19: {  	s24 =	simm.s32 $0x1B8B  }
0x1a: {  	_ =	swait.ge [sflag:s24], $0x1  }
0x1b: {  	[sflag:s24] =	ssyncset.done $0x0  }
0x1c: {  	[sflag:s24] =	ssyncadd.s32 $0xFFFFFFFF  }
0x1d: {  	s5 =	sld [smem:$0x0]  }
0x1e: {  	s6 =	sand.u32 $0xFFFFFFFE, s1  }
0x1f: {  	p0 =	sne.s32 s1, s6  }
0x20: {  	s6 =	sshll.u32 @p0 s6, $0xE  }
0x21: {  	s6 =	sadd.s32 @p0 $0x11B8D, s6;
	s7 =	sshll.u32 @p0 s5, $0x11  }
0x22: {  	s6 =	sor.u32 @p0 s7, s6  }
0x23: {  	[sflag:s6] =	ssyncadd.remote.s32 @p0 $0x1;
	_ =	sdelay $0x1  }
0x24: {  	s6 =	simm.s32 @p0 $0x1B8D  }
0x25: {  	_ =	swait.eq @p0 [sflag:s6], $0x1  }
0x26: {  	[sflag:s6] =	ssyncadd.s32 @p0 $0xFFFFFFFF  }
0x27: {  	s7 =	sshll.u32 @!p0 s1, $0xE  }
0x28: {  	s7 =	sor.u32 @!p0 $0x4000, s7;
	s6 =	simm.s32 @!p0 $0x1B8D  }
0x29: {  	s5 =	sshll.u32 @!p0 s5, $0x11;
	s7 =	sadd.s32 @!p0 $0x11B8D, s7;
	_ =	swait.eq @!p0 [sflag:s6], $0x1  }
0x2a: {  	s5 =	sor.u32 @!p0 s5, s7;
	[sflag:s6] =	ssyncadd.s32 @!p0 $0xFFFFFFFF  }
0x2b: {  	s26 =	simm.s32 $0x1B8E;
	s25 =	sld [smem:$0x3FFE];
	[sflag:s5] =	ssyncadd.remote.s32 @!p0 $0x1  }
0x2c: {  	s27 =	simm.s32 $execute0_lowered;
	[smem:$0x3FD2] =	sst s26  }
0x2d: {  	s6 =	sshll.u32 s27, $0x1;
	_ =	strace $0x80000049;
	[dreg:$0x1] =	wrdreg $0xFFFFFFFF  }
0x2e: {  	s28 =	simm.s32 $_size_execute0_lowered;
	s4 =	sadd.s32 s4, s6;
	[dreg:$0x0] =	wrdreg $0x0  }
0x2f: {  	s6 =	sshll.u32 s28, $0x1;
	[dreg:$0x2] =	wrdreg s4  }
0x30: {  	[dreg:$0x3] =	wrdreg s6  }
0x31: {  	[dreg:$0x4] =	wrdreg $0xC0  }
0x32: {  	_ =	task [dreg:s23], $0x5FFFF  }
0x33: {  	[dreg:$0x1] =	wrdreg $0xFFFFFFFF  }
0x34: {  	[dreg:$0x0] =	wrdreg $0x60  }
0x35: {  	[dreg:$0x2] =	wrdreg s19  }
0x36: {  	[dreg:$0x3] =	wrdreg s25  }
0x37: {  	[dreg:$0x4] =	wrdreg $0x9  }
0x38: {  	_ =	task.clear_ibuf [dreg:s23], $0x5FFFF;
	_ =	strace $0x90000049  }
0x39: {  	s29 =	simm.s32 $0x9;
	_ =	strace $0x8000004B  }
0x3a: {  	_ =	swait.ge [sflag:s29], $0x1  }
0x3b: {  	[sflag:s29] =	ssyncadd.s32 $0xFFFFFFFF  }
0x3c: {  	_ =	strace $0x9000004B  }
0x3d: {  	_ =	sfence  }
0x3e: {  	s30 =	sld [smem:$0x0];
	_ =	sdelay $0x2  }
0x3f: {  	s31 =	sshll.u32 s1, $0xD;
	s1 =	sshrl.u32 s1, $0x2  }
0x40: {  	s4 =	sand.u32 $0x4000, s31;
	s1 =	sadd.s32 s1, s30  }
0x41: {  	s0 =	sor.u32 s4, s0;
	s1 =	sshll.u32 s1, $0x11  }
0x42: {  	s0 =	sor.u32 s1, s0  }
0x43: {  	s0 =	sadd.s32 $0x8F2B, s0  }
0x44: {  	[sflag:s0] =	ssyncadd.remote.s32 $0x1  }
0x45: {  	_ =	sfence.sel $0xFFFF  }
0x46: {  	[dreg:$0x0] =	wrdreg $0xFFFFFFFF;
	(pc) =	sbr.abs _section_cstart, $3  }
0x47: {  	[dreg:$0x1] =	wrdreg $0xFFFFFFFF  }
0x48: {  	_ =	task.clear_ibuf [dreg:s23], $0x2FFFF;
	_ =	strace $0x9FFFFFFF  }
0x49: {  	(tm) =	ssettm $0x7FFFFFFF  }
tec
execute0_lowered:
.L_overlay_start_1:
0x0: {  	(tag) =	ssettag $0x1  }
0x1: {  	s0 =	srdreg.scid  }
0x2: {  	s1 =	sshll.u32 s0, $0x4  }
0x3: {  	s2 =	rddreg [dreg:$0x0];
	s0 =	stileid.u32;
	s1 =	sand.u32 $0x10, s1  }
0x4: {  	s4 =	rddreg [dreg:$0x1];
	s7 =	simm.s32 $0x1;
	s1 =	sor.u32 s0, s1  }
0x5: {  	s8 =	simm.s32 $0x2;
	s9 =	simm.s32 $0x0;
	s3 =	sshll.u32 s1, $0x3  }
0x6: {  	s12 =	simm.s32 $0x0;
	s11 =	simm.s32 $0x0;
	s6 =	ssub.s32 $0x3000, s3  }
.Ltmp0:
0x7: {  	s4 =	sadd.s32 $0x1000, s4;
	s5 =	sand.u32 $0xF8, s6;
	(pc) =	sbr.rel .LBB1_1-.Ltmp0, $4  }
0x8: {  	s1 =	rddreg [dreg:$0x2];
	_ =	strace $0x8000004A;
	p0 =	sne.s32 s5, $0x0  }
0x9: {  	s6 =	sshrl.u32 s6, $0x8;
	s5 =	simm.s32 $0x1;
	s7 =	simm.s32 @!p0 $0x0  }
0xa: {  	s10 =	smov.u32 s3;
	[sflag:s5] =	ssyncpa.u1 $0x0;
	s6 =	sadd.s32 s7, s6  }
0xb: {  	[sflag:s8] =	ssyncpa.u1 $0x0;
	s8 =	simm.s32 $0x0;
	s7 =	sadd.s32 $0x1, s6  }
.LBB1_9:
0xc: {  	s14 =	sadd.s32 $0x100, s10  }
0xd: {  	p1 =	sgt.s32 s14, $0x2FFF  }
0xe: {  	s14 =	smov.u32 @p1 s3;
	p1 =	sne.s32 s11, s7  }
.Ltmp1:
0xf: {  	p0 =	slt.u32 s11, $0x2;
	(pc) =	sbr.rel @!p1 .LBB1_10-.Ltmp1, $4  }
0x10: {  	s13 =	simm.s32 @!p0 $0x2  }
0x11: {  	s15 =	sadd.s32 $0x1, s11;
	_ =	swait.ge @!p0 [sflag:s13], $0x4000  }
0x12: {  	s12 =	smov.u32 s10;
	s9 =	sadd.s32 $0x4000, s9;
	[sflag:s13] =	ssyncset.done @!p0 $0x0  }
0x13: {  	s11 =	smov.u32 s15;
	s10 =	smov.u32 s14;
	[sflag:s13] =	ssyncadd.s32 @!p0 $0xFFFFC000  }
.LBB1_1:
0x14: {  	p0 =	sge.u32 s11, s6  }
0x15: {  	s13 =	sxor.u32 @!p0 $0xFFFFFFFF, s11  }
0x16: {  	s31 =	sadd.s32 $0xFFFFFFFF, s11;
	s14 =	sshll.u32 @!p0 s10, $0x8;
	s13 =	sshll.u32 @!p0 s13, $0xE  }
0x17: {  	s15 =	simm.s32 @!p0 $0x0;
	s14 =	sadd.s32 @!p0 s2, s14;
	s13 =	sand.u32 @!p0 $0x4000, s13  }
0x18: {  	[tilespmem:s13], [sflag:$0x1] =	stream.linear.gather @!p0 [hbm4b:s14+s15], $0x4000, $0x38;
	[tilespmem:$0x10000] =	vst v63  }
0x19: {  	p0 =	sge.u32 s31, s6  }
.Ltmp2:
0x1a: {  	_ = 	snop;
	(pc) =	sbr.rel @p0 .LBB1_9-.Ltmp2, $1  }
0x1b: {  	_ =	sdelay $0x3  }
0x1c: {  	s13 =	sshll.u32 s9, $0x2;
	_ =	swait.ge [sflag:s5], $0x4000;
	s14 =	sshll.u32 s11, $0xE  }
0x1d: {  	s16 =	simm.s32 $0x0;
	s17 =	simm.s32 $0x0;
	s15 =	sand.u32 $0x10000, s13  }
0x1e: {  	[sflag:s5] =	ssyncset.done $0x0;
	s31 =	sand.u32 $0x4000, s14;
	s14 =	sshrl.u32 s15, $0x2  }
0x1f: {  	[sflag:s5] =	ssyncadd.s32 $0xFFFFC000;
	s13 =	sor.u32 $0x8000, s31;
	s15 =	sor.u32 $0x8000, s14  }
.LBB1_3:
0x20: {  	s18 =	sshra.s32 s16, $0x2  }
0x21: {  	v0 =	vmov s18;
	_ =	sdelay $0x3  }
0x22: {  	p1 =	por $0x1, $0x1;
	s18 =	simm.s32 $0x0  }
.LBB1_4:
0x23: {  	_ = 	snop  }
0x24: {  	s19 =	sshll.u32 s18, $0xA  }
0x25: {  	s19 =	sand.u32 $0x3FFFFC00, s19  }
0x26: {  	s19 =	sadd.s32 s19, s14  }
0x27: {  	v5 =	vld.idx.msk [tilespmem:v0+s19+$0x70 ss:$0x1], $0xffff  }
0x28: {  	v6 =	vld.idx.msk [tilespmem:v0+s19+$0x10 ss:$0x1], $0xffff  }
0x29: {  	v7 =	vld.idx.msk [tilespmem:v0+s19+$0x20 ss:$0x1], $0xffff  }
0x2a: {  	s31 =	sshll.u32 s18, $0x7;
	v1 =	vld.idx.msk [tilespmem:v0+s19+$0x30 ss:$0x1], $0xffff  }
0x2b: {  	s18 =	sand.u32 $0x3FFFFF80, s31;
	v2 =	vld.idx.msk [tilespmem:v0+s19+$0x40 ss:$0x1], $0xffff  }
0x2c: {  	s18 =	sadd.s32 s18, s15;
	v3 =	vld.idx.msk [tilespmem:v0+s19+$0x50 ss:$0x1], $0xffff  }
0x2d: {  	v4 =	vld.idx.msk [tilespmem:v0+s19+$0x60 ss:$0x1], $0xffff;
	[tilespmem:v0+s18+$0x70 ss:$0x1] =	vst.idx.msk $0xffff, v5  }
0x2e: {  	v5 =	vld.idx.msk [tilespmem:v0+s19+$0x0 ss:$0x1], $0xffff;
	[tilespmem:v0+s18+$0x10 ss:$0x1] =	vst.idx.msk $0xffff, v6;
	s19 =	sadd.s32 $0x80, s19  }
0x2f: {  	p0 =	por p1, p1;
	s20 =	simm.s32 $0x6;
	[tilespmem:v0+s18+$0x20 ss:$0x1] =	vst.idx.msk $0xffff, v7;
	v6 =	vld.idx.msk [tilespmem:v0+s19+$0x70 ss:$0x1], $0xffff  }
.LBB1_5:
0x30: {  	p1 =	sne.s32 s20, $0x1;
	v7 =	vld.idx.msk [tilespmem:v0+s19+$0x10 ss:$0x1], $0xffff;
	[tilespmem:v0+s18+$0x30 ss:$0x1] =	vst.idx.msk $0xffff, v1  }
0x31: {  	v8 =	vld.idx.msk [tilespmem:v0+s19+$0x20 ss:$0x1], $0xffff;
	[tilespmem:v0+s18+$0x40 ss:$0x1] =	vst.idx.msk $0xffff, v2  }
0x32: {  	v1 =	vld.idx.msk [tilespmem:v0+s19+$0x30 ss:$0x1], $0xffff;
	[tilespmem:v0+s18+$0x50 ss:$0x1] =	vst.idx.msk $0xffff, v3  }
.Ltmp3:
0x33: {  	v2 =	vld.idx.msk [tilespmem:v0+s19+$0x40 ss:$0x1], $0xffff;
	[tilespmem:v0+s18+$0x60 ss:$0x1] =	vst.idx.msk $0xffff, v4;
	(pc) =	sbr.rel @p1 .LBB1_5-.Ltmp3, $4  }
0x34: {  	v3 =	vld.idx.msk [tilespmem:v0+s19+$0x50 ss:$0x1], $0xffff;
	[tilespmem:v0+s18+$0x0 ss:$0x1] =	vst.idx.msk $0xffff, v5;
	s18 =	sadd.s32 $0x100, s18  }
0x35: {  	v4 =	vld.idx.msk [tilespmem:v0+s19+$0x60 ss:$0x1], $0xffff;
	[tilespmem:v0+s18+$0x70 ss:$0x1] =	vst.idx.msk $0xffff, v6  }
0x36: {  	v5 =	vld.idx.msk [tilespmem:v0+s19+$0x0 ss:$0x1], $0xffff;
	[tilespmem:v0+s18+$0x10 ss:$0x1] =	vst.idx.msk $0xffff, v7;
	s19 =	sadd.s32 $0x80, s19  }
0x37: {  	s20 =	sadd.s32 $0xFFFFFFFF, s20;
	v6 =	vld.idx.msk [tilespmem:v0+s19+$0x70 ss:$0x1], $0xffff;
	[tilespmem:v0+s18+$0x20 ss:$0x1] =	vst.idx.msk $0xffff, v8  }
0x38: {  	_ =	sdelay $0x3  }
0x39: {  	[tilespmem:v0+s18+$0x30 ss:$0x1] =	vst.idx.msk $0xffff, v1  }
0x3a: {  	v1 =	vld.idx.msk [tilespmem:v0+s19+$0x10 ss:$0x1], $0xffff;
	[tilespmem:v0+s18+$0x40 ss:$0x1] =	vst.idx.msk $0xffff, v2  }
0x3b: {  	v2 =	vld.idx.msk [tilespmem:v0+s19+$0x20 ss:$0x1], $0xffff;
	[tilespmem:v0+s18+$0x50 ss:$0x1] =	vst.idx.msk $0xffff, v3  }
0x3c: {  	v61 =	vld.idx.msk [tilespmem:v0+s19+$0x40 ss:$0x1], $0xffff;
	[tilespmem:v0+s18+$0x60 ss:$0x1] =	vst.idx.msk $0xffff, v4  }
0x3d: {  	s31 =	sadd.s32 $0x100, s18;
	v62 =	vld.idx.msk [tilespmem:v0+s19+$0x50 ss:$0x1], $0xffff;
	[tilespmem:v0+s18+$0x0 ss:$0x1] =	vst.idx.msk $0xffff, v5  }
0x3e: {  	v63 =	vld.idx.msk [tilespmem:v0+s19+$0x60 ss:$0x1], $0xffff;
	[tilespmem:v0+s31+$0x70 ss:$0x1] =	vst.idx.msk $0xffff, v6  }
0x3f: {  	v3 =	vld.idx.msk [tilespmem:v0+s19+$0x30 ss:$0x1], $0xffff;
	[tilespmem:v0+s31+$0x10 ss:$0x1] =	vst.idx.msk $0xffff, v1  }
0x40: {  	v1 =	vld.idx.msk [tilespmem:v0+s19+$0x0 ss:$0x1], $0xffff;
	[tilespmem:v0+s31+$0x20 ss:$0x1] =	vst.idx.msk $0xffff, v2  }
.Ltmp4:
0x41: {  	[tilespmem:v0+s31+$0x40 ss:$0x1] =	vst.idx.msk $0xffff, v61;
	(pc) =	sbr.rel @p0 .LBB1_4-.Ltmp4, $4  }
0x42: {  	[tilespmem:v0+s31+$0x50 ss:$0x1] =	vst.idx.msk $0xffff, v62  }
0x43: {  	[tilespmem:v0+s31+$0x60 ss:$0x1] =	vst.idx.msk $0xffff, v63  }
0x44: {  	[tilespmem:v0+s31+$0x30 ss:$0x1] =	vst.idx.msk $0xffff, v3  }
0x45: {  	p1 =	por $0x0, $0x0;
	s18 =	simm.s32 $0x1;
	[tilespmem:v0+s31+$0x0 ss:$0x1] =	vst.idx.msk $0xffff, v1  }
0x46: {  	s17 =	sadd.s32 $0x1, s17  }
0x47: {  	p0 =	sne.s32 s17, $0x8  }
.Ltmp5:
0x48: {  	_ = 	snop;
	(pc) =	sbr.rel @p0 .LBB1_3-.Ltmp5, $2  }
0x49: {  	_ =	sdelay $0x2  }
0x4a: {  	s16 =	sadd.s32 $0x2000, s16  }
.Ltmp6:
0x4b: {  	(pc) =	sbr.rel .LBB1_9-.Ltmp6, $4  }
0x4c: {  	_ = 	snop  }
0x4d: {  	s12 =	sshll.u32 s12, $0x8  }
0x4e: {  	s12 =	sadd.s32 s4, s12  }
0x4f: {  	[hbm4b:s12+s8] =	stream.linear.scatter [tilespmem:s13], [sflag:$0x2], $0x4000, $0x38;
	[tilespmem:$0x10000] =	vst v63  }
.LBB1_10:
0x50: {  	_ =	sfence.sel $0x180000  }
0x51: {  	s2 =	simm.s32 $0x1;
	[bflag:$0x0] =	sbarrier.arrive $0xFFFF  }
0x52: {  	s31 =	simm.s32 $0x2;
	[sflag:s2] =	ssyncpa.u1 $0x1  }
0x53: {  	[sflag:s31] =	ssyncpa.u1 $0x1  }
0x54: {  	p0 =	sne.s32 s0, $0x0;
	_ =	strace $0x9000004A  }
0x55: {  	s0 =	sadd.s32 @!p0 $0x100000, s1;
	[bflag:$0x2] =	sbarrier.arrive $0xFFFF  }
0x56: {  	[sflag:s0] =	ssyncadd.tile.s32 @!p0 $0x1;
	_ =	shalt  }
.Lfunc_end1:
_tile_overlayer_lowered:
.L_overlay_start_2:
0x57: {  	(tag) =	ssettag $0x2  }
0x58: {  	s0 =	rddreg [dreg:$0x0];
	s2 =	stileid.u32  }
0x59: {  	s1 =	rddreg [dreg:$0x1];
	p0 =	sne.s32 s2, $0x0  }
0x5a: {  	s3 =	rddreg [dreg:$0x2];
	[bflag:$0x3] =	sbarrier.arrive $0xFFFF;
	s2 =	simm.s32 @!p0 $0x1C01  }
0x5b: {  	[timem:s3], [sflag:s2] =	dma.local @!p0 [hbm:s0], s1  }
0x5c: {  	s0 =	simm.s32 @!p0 $0x1  }
0x5d: {  	_ =	swait.ge @!p0 [sflag:s0], s1  }
0x5e: {  	s1 =	ssub.s32 @!p0 $0x0, s1;
	[sflag:s0] =	ssyncset.done @!p0 $0x0  }
0x5f: {  	[sflag:s0] =	ssyncadd.s32 @!p0 s1  }
0x60: {  	[bflag:$0x3] =	sbarrier.arrive $0xFFFF  }
0x61: {  	_ =	shalt  }

</sc_bundles>
